<compile_context>
chip_gen: v7x
topology: tpu7x:2x2x1
jax: 0.10.2.dev20260603
libtpu: 0.0.44.dev20260713+nightly
codegen_flags: <defaults>
</compile_context>

<pallas_src>
import functools

import jax
import jax.numpy as jnp
from jax import lax
from jax.experimental import pallas as pl
from jax.experimental.pallas import tpu as pltpu
from jax.experimental.pallas import tpu_sc as plsc

_B, _S, _D = 1024, 50, 128
_M, _NQ = 100000, 16
_K = 3
_DM = 2 * _NQ

_MT = 2048
_NMT = (_M + _MT - 1) // _MT
_NEG = -1.0


def _encoder_body(q_ref, w1_ref, b1_ref, w2_ref, b2_ref, qq_ref):
    acc = q_ref[:, 0, :]
    for i in range(1, _S):
        acc = acc + q_ref[:, i, :]
    q = acc * (1.0 / _S)
    h = jnp.tanh(
        jnp.dot(q, w1_ref[...], preferred_element_type=jnp.float32)
        + b1_ref[...]
    )
    qq_ref[...] = (
        jnp.dot(h, w2_ref[...], preferred_element_type=jnp.float32)
        + b2_ref[...]
    )


def _encoder(query, w1, b1, w2, b2):
    bt = 256
    return pl.pallas_call(
        _encoder_body,
        grid=(_B // bt,),
        in_specs=[
            pl.BlockSpec((bt, _S, _D), lambda i: (i, 0, 0)),
            pl.BlockSpec((_D, _D), lambda i: (0, 0)),
            pl.BlockSpec((1, _D), lambda i: (0, 0)),
            pl.BlockSpec((_D, _DM), lambda i: (0, 0)),
            pl.BlockSpec((1, _DM), lambda i: (0, 0)),
        ],
        out_specs=pl.BlockSpec((bt, _DM), lambda i: (i, 0)),
        out_shape=jax.ShapeDtypeStruct((_B, _DM), jnp.float32),
    )(query, w1, b1, w2, b2)


_LANES = 128
_RB = 8
_UNROLL = 2
_NRB = _B // (_RB * _UNROLL)


def _insert3(t0, t1, t2, i0, i1, i2, v, vi):
    b = v > t0
    nt0 = jnp.where(b, v, t0)
    c = jnp.where(b, t0, v)
    ni0 = jnp.where(b, vi, i0)
    ci = jnp.where(b, i0, vi)
    b = c > t1
    nt1 = jnp.where(b, c, t1)
    c2 = jnp.where(b, t1, c)
    ni1 = jnp.where(b, ci, i1)
    ci2 = jnp.where(b, i1, ci)
    b = c2 > t2
    nt2 = jnp.where(b, c2, t2)
    ni2 = jnp.where(b, ci2, i2)
    return nt0, nt1, nt2, ni0, ni1, ni2


def _fold_tile(s_ref, fbase, t0r, t1r, t2r, i0r, i1r, i2r):
    lane = lax.broadcasted_iota(jnp.int32, (_RB, _LANES), 1).astype(jnp.float32)

    def rb_step(rbo, _):
        for u in range(_UNROLL):
            rows = pl.ds((rbo * _UNROLL + u) * _RB, _RB)
            st = (t0r[rows, :], t1r[rows, :], t2r[rows, :],
                  i0r[rows, :], i1r[rows, :], i2r[rows, :])
            for k in range(_MT // _LANES):
                v = s_ref[rows, k * _LANES : (k + 1) * _LANES]
                vi = lane + (fbase + float(k * _LANES))
                st = _insert3(*st, v, vi)
            t0r[rows, :], t1r[rows, :], t2r[rows, :] = st[0], st[1], st[2]
            i0r[rows, :], i1r[rows, :], i2r[rows, :] = st[3], st[4], st[5]
        return 0

    lax.fori_loop(0, _NRB, rb_step, 0)


def _topk_body(qq_ref, mem_ref, out_ref, s_ref, t0r, t1r, t2r, i0r, i1r,
               i2r):
    j = pl.program_id(0)

    @pl.when(j == 0)
    def _init():
        for tr in (t0r, t1r, t2r):
            tr[...] = jnp.full(tr.shape, _NEG, jnp.float32)
        for ir in (i0r, i1r, i2r):
            ir[...] = jnp.zeros(ir.shape, jnp.float32)

    ov = lax.dot_general(
        qq_ref[...], mem_ref[...],
        (((1,), (1,)), ((), ())),
        preferred_element_type=jnp.float32,
    )
    s_ref[...] = ov * ov
    base = j * _MT

    @pl.when(j == _NMT - 1)
    def _mask_tail():
        col = lax.broadcasted_iota(jnp.int32, (_B, _MT), 1)
        s_ref[...] = jnp.where(col < _M - base, s_ref[...], _NEG)

    _fold_tile(s_ref, base.astype(jnp.float32), t0r, t1r, t2r, i0r, i1r, i2r)

    @pl.when(j == _NMT - 1)
    def _merge():
        t0, t1, t2 = t0r[...], t1r[...], t2r[...]
        i0, i1, i2 = i0r[...], i1r[...], i2r[...]
        lane_b = lax.broadcasted_iota(jnp.int32, (_B, _LANES), 1)
        for r in range(_K):
            m = jnp.max(t0, axis=1, keepdims=True)
            lsel = jnp.min(jnp.where(t0 == m, lane_b, _LANES), axis=1,
                           keepdims=True)
            hit = lane_b == lsel
            out_ref[:, 2 - r : 3 - r] = jnp.sum(
                jnp.where(hit, i0, 0.0), axis=1, keepdims=True
            ).astype(jnp.int32)
            t0 = jnp.where(hit, t1, t0)
            i0 = jnp.where(hit, i1, i0)
            t1 = jnp.where(hit, t2, t1)
            i1 = jnp.where(hit, i2, i1)
            t2 = jnp.where(hit, _NEG - 1.0, t2)


def _topk(qq, mem):
    return pl.pallas_call(
        _topk_body,
        grid=(_NMT,),
        in_specs=[
            pl.BlockSpec((_B, _DM), lambda j: (0, 0)),
            pl.BlockSpec((_MT, _DM), lambda j: (j, 0)),
        ],
        out_specs=pl.BlockSpec((_B, _K), lambda j: (0, 0)),
        out_shape=jax.ShapeDtypeStruct((_B, _K), jnp.int32),
        scratch_shapes=[pltpu.VMEM((_B, _MT), jnp.float32)]
        + [pltpu.VMEM((_B, _LANES), jnp.float32)] * 6,
    )(qq, mem)


_NC, _NS = 2, 16
_NW = _NC * _NS
_NB = _B * _K
_BPW = _NB // _NW


def _sc_gather_body(table_hbm, idx_hbm, out_hbm, idx_v, rows_v, sem):
    wid = lax.axis_index("s") * _NC + lax.axis_index("c")
    base = wid * _BPW
    pltpu.sync_copy(idx_hbm.at[pl.ds(base, _BPW)], idx_v)
    pltpu.async_copy(table_hbm.at[idx_v], rows_v, sem).wait()
    pltpu.sync_copy(rows_v, out_hbm.at[pl.ds(base, _BPW)])


def _sc_gather(table, idx):
    run = pl.kernel(
        _sc_gather_body,
        mesh=plsc.VectorSubcoreMesh(
            core_axis_name="c", subcore_axis_name="s", num_cores=_NC
        ),
        out_type=jax.ShapeDtypeStruct((_NB, _DM), jnp.float32),
        scratch_types=[
            pltpu.VMEM((_BPW,), jnp.int32),
            pltpu.VMEM((_BPW, _DM), jnp.float32),
            pltpu.SemaphoreType.DMA,
        ],
        compiler_params=pltpu.CompilerParams(use_tc_tiling_on_sc=False),
    )
    return run(table, idx)


def _mlp_body(g_ref, w3_ref, b3_ref, w4_ref, b4_ref, out_ref):
    x = g_ref[...][:, :_NQ]
    h = jnp.tanh(
        jnp.dot(x, w3_ref[...], preferred_element_type=jnp.float32)
        + b3_ref[...]
    )
    out_ref[...] = (
        jnp.dot(h, w4_ref[...], preferred_element_type=jnp.float32)
        + b4_ref[...]
    )


def _mlp(g, w3, b3, w4, b4):
    return pl.pallas_call(
        _mlp_body,
        in_specs=[
            pl.BlockSpec((_NB, _DM), lambda: (0, 0)),
            pl.BlockSpec((_NQ, _NQ), lambda: (0, 0)),
            pl.BlockSpec((1, _NQ), lambda: (0, 0)),
            pl.BlockSpec((_NQ, _D), lambda: (0, 0)),
            pl.BlockSpec((1, _D), lambda: (0, 0)),
        ],
        out_specs=pl.BlockSpec((_NB, _D), lambda: (0, 0)),
        out_shape=jax.ShapeDtypeStruct((_NB, _D), jnp.float32),
    )(g, w3, b3, w4, b4)


def kernel(query, memory_states, W1, b1, W2, b2, W3, b3, W4, b4):
    qq = _encoder(query, W1, b1.reshape(1, _D), W2, b2.reshape(1, _DM))
    idx = _topk(qq, memory_states)
    gathered = _sc_gather(memory_states, idx.reshape(_NB))
    feats = _mlp(
        gathered, W3, b3.reshape(1, _NQ), W4, b4.reshape(1, _D)
    )
    return feats.reshape(_B, _K, _D)

# --- scband reference (transcript-rebuilt; emitter-appended) ---
"""Pipeline reference for scband-quantum-memory-bank-7344394076256 (READ-ONLY COPY).

The authoritative reference and input builder live on the scoring server;
editing this copy changes nothing except your own understanding.
"""

import jax, jax.numpy as jnp
import numpy as np

B, S, D = 1024, 50, 128
M, NQ = 100000, 16
K = 3


def setup_inputs(seed: int = 0) -> dict:
    key = jax.random.key(seed)
    ks = jax.random.split(key, 8)
    query = jax.random.normal(ks[0], (B, S, D), dtype=jnp.float32)
    memory_states = jax.random.normal(ks[1], (M, 2 * NQ), dtype=jnp.float32)
    W1 = jax.random.normal(ks[2], (D, D), dtype=jnp.float32) / np.sqrt(D)
    b1 = jnp.zeros((D,), jnp.float32)
    W2 = jax.random.normal(ks[3], (D, 2 * NQ), dtype=jnp.float32) / np.sqrt(D)
    b2 = jnp.zeros((2 * NQ,), jnp.float32)
    W3 = jax.random.normal(ks[4], (NQ, NQ), dtype=jnp.float32) / np.sqrt(NQ)
    b3 = jnp.zeros((NQ,), jnp.float32)
    W4 = jax.random.normal(ks[5], (NQ, D), dtype=jnp.float32) / np.sqrt(NQ)
    b4 = jnp.zeros((D,), jnp.float32)
    return {"query": query, "memory_states": memory_states, "W1": W1, "b1": b1,
            "W2": W2, "b2": b2, "W3": W3, "b3": b3, "W4": W4, "b4": b4}


def reference(query, memory_states, W1, b1, W2, b2, W3, b3, W4, b4):
    # quantum_encoder applied to mean-pooled query
    q = query.mean(axis=1)                                  # [B, D]
    h = jnp.tanh(q @ W1 + b1)                               # [B, D]
    quantum_query = h @ W2 + b2                             # [B, 2*NQ]
    # all_overlaps = sum(q[:,None,:] * mem[None,:,:], -1) == q @ mem.T (same math)
    all_overlaps = quantum_query @ memory_states.T          # [B, M]
    retrieval_probs = jax.nn.softmax(all_overlaps ** 2, axis=-1)
    top_k_indices = jnp.argsort(retrieval_probs, axis=-1)[:, -K:]  # [B, K]
    retrieved_states = memory_states[top_k_indices]         # [B, K, 2*NQ]
    classical_features = []
    for i in range(K):
        quantum_state = retrieved_states[:, i, :NQ]          # [B, NQ]
        f = jnp.tanh(quantum_state @ W3 + b3) @ W4 + b4      # [B, D]
        classical_features.append(f)
    return jnp.stack(classical_features, axis=1)             # [B, K, D]

if __name__ == "__main__":
    import jax
    _d = setup_inputs()
    print(jax.jit(kernel)(*tuple(_d.values())))

</pallas_src>

<mosaic_0001>
#map = affine_map<(d0, d1) -> (0, 0)>
#map1 = affine_map<(d0, d1) -> (0)>
module attributes {stable_mosaic.version = 14 : i64} {
  func.func @_sc_gather_body(%arg0: i32, %arg1: i32, %arg2: memref<100000x32xf32, #tpu.memory_space<hbm>>, %arg3: memref<3072xi32, #tpu.memory_space<hbm>>, %arg4: memref<3072x32xf32, #tpu.memory_space<hbm>>, %arg5: memref<96xi32, #tpu.memory_space<vmem>>, %arg6: memref<96x32xf32, #tpu.memory_space<vmem>>, %arg7: memref<!tpu.dma_semaphore, #tpu.memory_space<semaphore_mem>>) attributes {dimension_semantics = [#tpu.dimension_semantics<core_parallel>, #tpu.dimension_semantics<subcore_parallel>], iteration_bounds = array<i64: 2, 16>, scalar_prefetch = 0 : i64, scratch_operands = 3 : i64, tpu.core_type = #tpu.core_type<sc_vector_subcore>, window_params = [{transform_indices = #map}, {transform_indices = #map1}, {transform_indices = #map}]} {
    %mul3A = arith.constant 2 : i32
    %mul3A_0 = arith.muli %arg1, %mul3A : i32
    %add3A = arith.addi %mul3A_0, %arg0 : i32
    %mul3A_1 = arith.constant 96 : i32
    %mul3A_2 = arith.muli %add3A, %mul3A_1 : i32
    "tpu.region"() ({
      %run_scoped3A = tpu.sem_alloc : memref<!tpu.dma_semaphore, #tpu.memory_space<semaphore_mem>>
      %dma_start3A_7 = tpu.memref_slice %arg3[%mul3A_2] : memref<3072xi32, #tpu.memory_space<hbm>> -> memref<96xi32, #tpu.memory_space<hbm>>
      %dma_start3A_8 = tpu.memref_slice %arg3[%mul3A_2] : memref<3072xi32, #tpu.memory_space<hbm>> -> memref<96xi32, #tpu.memory_space<hbm>>
      tpu.enqueue_dma source(%dma_start3A_8 : memref<96xi32, #tpu.memory_space<hbm>>) target(%arg5 : memref<96xi32, #tpu.memory_space<vmem>>) target_semaphore(%run_scoped3A : memref<!tpu.dma_semaphore, #tpu.memory_space<semaphore_mem>>)
      %dma_wait3A_9 = tpu.memref_slice %arg3[%mul3A_2] : memref<3072xi32, #tpu.memory_space<hbm>> -> memref<96xi32, #tpu.memory_space<hbm>>
      %dma_wait3A_10 = tpu.memref_slice %arg3[%mul3A_2] : memref<3072xi32, #tpu.memory_space<hbm>> -> memref<96xi32, #tpu.memory_space<hbm>>
      tpu.wait_dma2 semaphore(%run_scoped3A : memref<!tpu.dma_semaphore, #tpu.memory_space<semaphore_mem>>) src(%dma_wait3A_10 : memref<96xi32, #tpu.memory_space<hbm>>) dst(%arg5 : memref<96xi32, #tpu.memory_space<vmem>>)
      tpu.yield
    }) : () -> ()
    %dma_start3A = arith.constant 0 : i32
    %dma_start3A_3 = arith.constant 0 : i32
    %dma_start3A_4 = tpu.memref_slice %arg2[%dma_start3A, %dma_start3A_3] : memref<100000x32xf32, #tpu.memory_space<hbm>> -> memref<100000x32xf32, #tpu.memory_space<hbm>>
    tpu.enqueue_indirect_dma source(%dma_start3A_4 : memref<100000x32xf32, #tpu.memory_space<hbm>>) target(%arg6 : memref<96x32xf32, #tpu.memory_space<vmem>>) offsets(%arg5 : memref<96xi32, #tpu.memory_space<vmem>>) semaphore(%arg7 : memref<!tpu.dma_semaphore, #tpu.memory_space<semaphore_mem>>)
    %dma_wait3A = arith.constant 0 : i32
    %dma_wait3A_5 = arith.constant 0 : i32
    %dma_wait3A_6 = tpu.memref_slice %arg2[%dma_wait3A, %dma_wait3A_5] : memref<100000x32xf32, #tpu.memory_space<hbm>> -> memref<100000x32xf32, #tpu.memory_space<hbm>>
    tpu.wait_indirect_dma semaphore(%arg7 : memref<!tpu.dma_semaphore, #tpu.memory_space<semaphore_mem>>) src(%dma_wait3A_6 : memref<100000x32xf32, #tpu.memory_space<hbm>>) dst(%arg6 : memref<96x32xf32, #tpu.memory_space<vmem>>)
    "tpu.region"() ({
      %run_scoped3A = tpu.sem_alloc : memref<!tpu.dma_semaphore, #tpu.memory_space<semaphore_mem>>
      %dma_start3A_7 = arith.constant 0 : i32
      %dma_start3A_8 = tpu.memref_slice %arg4[%mul3A_2, %dma_start3A_7] : memref<3072x32xf32, #tpu.memory_space<hbm>> -> memref<96x32xf32, #tpu.memory_space<hbm>>
      %dma_start3A_9 = arith.constant 0 : i32
      %dma_start3A_10 = tpu.memref_slice %arg4[%mul3A_2, %dma_start3A_9] : memref<3072x32xf32, #tpu.memory_space<hbm>> -> memref<96x32xf32, #tpu.memory_space<hbm>>
      tpu.enqueue_dma source(%arg6 : memref<96x32xf32, #tpu.memory_space<vmem>>) target(%dma_start3A_10 : memref<96x32xf32, #tpu.memory_space<hbm>>) target_semaphore(%run_scoped3A : memref<!tpu.dma_semaphore, #tpu.memory_space<semaphore_mem>>)
      %dma_wait3A_11 = arith.constant 0 : i32
      %dma_wait3A_12 = tpu.memref_slice %arg4[%mul3A_2, %dma_wait3A_11] : memref<3072x32xf32, #tpu.memory_space<hbm>> -> memref<96x32xf32, #tpu.memory_space<hbm>>
      %dma_wait3A_13 = arith.constant 0 : i32
      %dma_wait3A_14 = tpu.memref_slice %arg4[%mul3A_2, %dma_wait3A_13] : memref<3072x32xf32, #tpu.memory_space<hbm>> -> memref<96x32xf32, #tpu.memory_space<hbm>>
      tpu.wait_dma2 semaphore(%run_scoped3A : memref<!tpu.dma_semaphore, #tpu.memory_space<semaphore_mem>>) src(%arg6 : memref<96x32xf32, #tpu.memory_space<vmem>>) dst(%dma_wait3A_14 : memref<96x32xf32, #tpu.memory_space<hbm>>)
      tpu.yield
    }) : () -> ()
    return
  }
}

module attributes {stable_mosaic.version = 14 : i64} {
  func.func @_encoder_body(%arg0: i32, %arg1: memref<256x50x128xf32, #tpu.memory_space<vmem>>, %arg2: memref<128x128xf32, #tpu.memory_space<vmem>>, %arg3: memref<1x128xf32, #tpu.memory_space<vmem>>, %arg4: memref<128x32xf32, #tpu.memory_space<vmem>>, %arg5: memref<1x32xf32, #tpu.memory_space<vmem>>, %arg6: memref<256x32xf32, #tpu.memory_space<vmem>>) attributes {dimension_semantics = [#tpu.dimension_semantics<arbitrary>], iteration_bounds = array<i64: 4>, scalar_prefetch = 0 : i64, scratch_operands = 0 : i64, tpu.core_type = #tpu.core_type<tc>, window_params = [{transform_indices = @transform_0, window_bounds = array<i64: 256, 50, 128>}, {pipeline_mode = #tpu.pipeline_mode<synchronous>, transform_indices = @transform_1, window_bounds = array<i64: 128, 128>}, {pipeline_mode = #tpu.pipeline_mode<synchronous>, transform_indices = @transform_2, window_bounds = array<i64: 1, 128>}, {pipeline_mode = #tpu.pipeline_mode<synchronous>, transform_indices = @transform_3, window_bounds = array<i64: 128, 32>}, {pipeline_mode = #tpu.pipeline_mode<synchronous>, transform_indices = @transform_4, window_bounds = array<i64: 1, 32>}, {transform_indices = @transform_5, window_bounds = array<i64: 256, 32>}]} {
    %get3A = arith.constant 0 : index
    %get3A_0 = arith.constant 0 : index
    %get3A_1 = arith.constant 0 : index
    %get3A_2 = vector.load %arg1[%get3A, %get3A_0, %get3A_1] : memref<256x50x128xf32, #tpu.memory_space<vmem>>, vector<256x1x128xf32>
    %get3A_3 = vector.shape_cast %get3A_2 : vector<256x1x128xf32> to vector<256x128xf32>
    %get3A_4 = arith.constant 0 : index
    %get3A_5 = arith.constant 1 : index
    %get3A_6 = arith.constant 0 : index
    %get3A_7 = vector.load %arg1[%get3A_4, %get3A_5, %get3A_6] : memref<256x50x128xf32, #tpu.memory_space<vmem>>, vector<256x1x128xf32>
    %get3A_8 = vector.shape_cast %get3A_7 : vector<256x1x128xf32> to vector<256x128xf32>
    %add3A = arith.addf %get3A_3, %get3A_8 : vector<256x128xf32>
    %get3A_9 = arith.constant 0 : index
    %get3A_10 = arith.constant 2 : index
    %get3A_11 = arith.constant 0 : index
    %get3A_12 = vector.load %arg1[%get3A_9, %get3A_10, %get3A_11] : memref<256x50x128xf32, #tpu.memory_space<vmem>>, vector<256x1x128xf32>
    %get3A_13 = vector.shape_cast %get3A_12 : vector<256x1x128xf32> to vector<256x128xf32>
    %add3A_14 = arith.addf %add3A, %get3A_13 : vector<256x128xf32>
    %get3A_15 = arith.constant 0 : index
    %get3A_16 = arith.constant 3 : index
    %get3A_17 = arith.constant 0 : index
    %get3A_18 = vector.load %arg1[%get3A_15, %get3A_16, %get3A_17] : memref<256x50x128xf32, #tpu.memory_space<vmem>>, vector<256x1x128xf32>
    %get3A_19 = vector.shape_cast %get3A_18 : vector<256x1x128xf32> to vector<256x128xf32>
    %add3A_20 = arith.addf %add3A_14, %get3A_19 : vector<256x128xf32>
    %get3A_21 = arith.constant 0 : index
    %get3A_22 = arith.constant 4 : index
    %get3A_23 = arith.constant 0 : index
    %get3A_24 = vector.load %arg1[%get3A_21, %get3A_22, %get3A_23] : memref<256x50x128xf32, #tpu.memory_space<vmem>>, vector<256x1x128xf32>
    %get3A_25 = vector.shape_cast %get3A_24 : vector<256x1x128xf32> to vector<256x128xf32>
    %add3A_26 = arith.addf %add3A_20, %get3A_25 : vector<256x128xf32>
    %get3A_27 = arith.constant 0 : index
    %get3A_28 = arith.constant 5 : index
    %get3A_29 = arith.constant 0 : index
    %get3A_30 = vector.load %arg1[%get3A_27, %get3A_28, %get3A_29] : memref<256x50x128xf32, #tpu.memory_space<vmem>>, vector<256x1x128xf32>
    %get3A_31 = vector.shape_cast %get3A_30 : vector<256x1x128xf32> to vector<256x128xf32>
    %add3A_32 = arith.addf %add3A_26, %get3A_31 : vector<256x128xf32>
    %get3A_33 = arith.constant 0 : index
    %get3A_34 = arith.constant 6 : index
    %get3A_35 = arith.constant 0 : index
    %get3A_36 = vector.load %arg1[%get3A_33, %get3A_34, %get3A_35] : memref<256x50x128xf32, #tpu.memory_space<vmem>>, vector<256x1x128xf32>
    %get3A_37 = vector.shape_cast %get3A_36 : vector<256x1x128xf32> to vector<256x128xf32>
    %add3A_38 = arith.addf %add3A_32, %get3A_37 : vector<256x128xf32>
    %get3A_39 = arith.constant 0 : index
    %get3A_40 = arith.constant 7 : index
    %get3A_41 = arith.constant 0 : index
    %get3A_42 = vector.load %arg1[%get3A_39, %get3A_40, %get3A_41] : memref<256x50x128xf32, #tpu.memory_space<vmem>>, vector<256x1x128xf32>
    %get3A_43 = vector.shape_cast %get3A_42 : vector<256x1x128xf32> to vector<256x128xf32>
    %add3A_44 = arith.addf %add3A_38, %get3A_43 : vector<256x128xf32>
    %get3A_45 = arith.constant 0 : index
    %get3A_46 = arith.constant 8 : index
    %get3A_47 = arith.constant 0 : index
    %get3A_48 = vector.load %arg1[%get3A_45, %get3A_46, %get3A_47] : memref<256x50x128xf32, #tpu.memory_space<vmem>>, vector<256x1x128xf32>
    %get3A_49 = vector.shape_cast %get3A_48 : vector<256x1x128xf32> to vector<256x128xf32>
    %add3A_50 = arith.addf %add3A_44, %get3A_49 : vector<256x128xf32>
    %get3A_51 = arith.constant 0 : index
    %get3A_52 = arith.constant 9 : index
    %get3A_53 = arith.constant 0 : index
    %get3A_54 = vector.load %arg1[%get3A_51, %get3A_52, %get3A_53] : memref<256x50x128xf32, #tpu.memory_space<vmem>>, vector<256x1x128xf32>
    %get3A_55 = vector.shape_cast %get3A_54 : vector<256x1x128xf32> to vector<256x128xf32>
    %add3A_56 = arith.addf %add3A_50, %get3A_55 : vector<256x128xf32>
    %get3A_57 = arith.constant 0 : index
    %get3A_58 = arith.constant 10 : index
    %get3A_59 = arith.constant 0 : index
    %get3A_60 = vector.load %arg1[%get3A_57, %get3A_58, %get3A_59] : memref<256x50x128xf32, #tpu.memory_space<vmem>>, vector<256x1x128xf32>
    %get3A_61 = vector.shape_cast %get3A_60 : vector<256x1x128xf32> to vector<256x128xf32>
    %add3A_62 = arith.addf %add3A_56, %get3A_61 : vector<256x128xf32>
    %get3A_63 = arith.constant 0 : index
    %get3A_64 = arith.constant 11 : index
    %get3A_65 = arith.constant 0 : index
    %get3A_66 = vector.load %arg1[%get3A_63, %get3A_64, %get3A_65] : memref<256x50x128xf32, #tpu.memory_space<vmem>>, vector<256x1x128xf32>
    %get3A_67 = vector.shape_cast %get3A_66 : vector<256x1x128xf32> to vector<256x128xf32>
    %add3A_68 = arith.addf %add3A_62, %get3A_67 : vector<256x128xf32>
    %get3A_69 = arith.constant 0 : index
    %get3A_70 = arith.constant 12 : index
    %get3A_71 = arith.constant 0 : index
    %get3A_72 = vector.load %arg1[%get3A_69, %get3A_70, %get3A_71] : memref<256x50x128xf32, #tpu.memory_space<vmem>>, vector<256x1x128xf32>
    %get3A_73 = vector.shape_cast %get3A_72 : vector<256x1x128xf32> to vector<256x128xf32>
    %add3A_74 = arith.addf %add3A_68, %get3A_73 : vector<256x128xf32>
    %get3A_75 = arith.constant 0 : index
    %get3A_76 = arith.constant 13 : index
    %get3A_77 = arith.constant 0 : index
    %get3A_78 = vector.load %arg1[%get3A_75, %get3A_76, %get3A_77] : memref<256x50x128xf32, #tpu.memory_space<vmem>>, vector<256x1x128xf32>
    %get3A_79 = vector.shape_cast %get3A_78 : vector<256x1x128xf32> to vector<256x128xf32>
    %add3A_80 = arith.addf %add3A_74, %get3A_79 : vector<256x128xf32>
    %get3A_81 = arith.constant 0 : index
    %get3A_82 = arith.constant 14 : index
    %get3A_83 = arith.constant 0 : index
    %get3A_84 = vector.load %arg1[%get3A_81, %get3A_82, %get3A_83] : memref<256x50x128xf32, #tpu.memory_space<vmem>>, vector<256x1x128xf32>
    %get3A_85 = vector.shape_cast %get3A_84 : vector<256x1x128xf32> to vector<256x128xf32>
    %add3A_86 = arith.addf %add3A_80, %get3A_85 : vector<256x128xf32>
    %get3A_87 = arith.constant 0 : index
    %get3A_88 = arith.constant 15 : index
    %get3A_89 = arith.constant 0 : index
    %get3A_90 = vector.load %arg1[%get3A_87, %get3A_88, %get3A_89] : memref<256x50x128xf32, #tpu.memory_space<vmem>>, vector<256x1x128xf32>
    %get3A_91 = vector.shape_cast %get3A_90 : vector<256x1x128xf32> to vector<256x128xf32>
    %add3A_92 = arith.addf %add3A_86, %get3A_91 : vector<256x128xf32>
    %get3A_93 = arith.constant 0 : index
    %get3A_94 = arith.constant 16 : index
    %get3A_95 = arith.constant 0 : index
    %get3A_96 = vector.load %arg1[%get3A_93, %get3A_94, %get3A_95] : memref<256x50x128xf32, #tpu.memory_space<vmem>>, vector<256x1x128xf32>
    %get3A_97 = vector.shape_cast %get3A_96 : vector<256x1x128xf32> to vector<256x128xf32>
    %add3A_98 = arith.addf %add3A_92, %get3A_97 : vector<256x128xf32>
    %get3A_99 = arith.constant 0 : index
    %get3A_100 = arith.constant 17 : index
    %get3A_101 = arith.constant 0 : index
    %get3A_102 = vector.load %arg1[%get3A_99, %get3A_100, %get3A_101] : memref<256x50x128xf32, #tpu.memory_space<vmem>>, vector<256x1x128xf32>
    %get3A_103 = vector.shape_cast %get3A_102 : vector<256x1x128xf32> to vector<256x128xf32>
    %add3A_104 = arith.addf %add3A_98, %get3A_103 : vector<256x128xf32>
    %get3A_105 = arith.constant 0 : index
    %get3A_106 = arith.constant 18 : index
    %get3A_107 = arith.constant 0 : index
    %get3A_108 = vector.load %arg1[%get3A_105, %get3A_106, %get3A_107] : memref<256x50x128xf32, #tpu.memory_space<vmem>>, vector<256x1x128xf32>
    %get3A_109 = vector.shape_cast %get3A_108 : vector<256x1x128xf32> to vector<256x128xf32>
    %add3A_110 = arith.addf %add3A_104, %get3A_109 : vector<256x128xf32>
    %get3A_111 = arith.constant 0 : index
    %get3A_112 = arith.constant 19 : index
    %get3A_113 = arith.constant 0 : index
    %get3A_114 = vector.load %arg1[%get3A_111, %get3A_112, %get3A_113] : memref<256x50x128xf32, #tpu.memory_space<vmem>>, vector<256x1x128xf32>
    %get3A_115 = vector.shape_cast %get3A_114 : vector<256x1x128xf32> to vector<256x128xf32>
    %add3A_116 = arith.addf %add3A_110, %get3A_115 : vector<256x128xf32>
    %get3A_117 = arith.constant 0 : index
    %get3A_118 = arith.constant 20 : index
    %get3A_119 = arith.constant 0 : index
    %get3A_120 = vector.load %arg1[%get3A_117, %get3A_118, %get3A_119] : memref<256x50x128xf32, #tpu.memory_space<vmem>>, vector<256x1x128xf32>
    %get3A_121 = vector.shape_cast %get3A_120 : vector<256x1x128xf32> to vector<256x128xf32>
    %add3A_122 = arith.addf %add3A_116, %get3A_121 : vector<256x128xf32>
    %get3A_123 = arith.constant 0 : index
    %get3A_124 = arith.constant 21 : index
    %get3A_125 = arith.constant 0 : index
    %get3A_126 = vector.load %arg1[%get3A_123, %get3A_124, %get3A_125] : memref<256x50x128xf32, #tpu.memory_space<vmem>>, vector<256x1x128xf32>
    %get3A_127 = vector.shape_cast %get3A_126 : vector<256x1x128xf32> to vector<256x128xf32>
    %add3A_128 = arith.addf %add3A_122, %get3A_127 : vector<256x128xf32>
    %get3A_129 = arith.constant 0 : index
    %get3A_130 = arith.constant 22 : index
    %get3A_131 = arith.constant 0 : index
    %get3A_132 = vector.load %arg1[%get3A_129, %get3A_130, %get3A_131] : memref<256x50x128xf32, #tpu.memory_space<vmem>>, vector<256x1x128xf32>
    %get3A_133 = vector.shape_cast %get3A_132 : vector<256x1x128xf32> to vector<256x128xf32>
    %add3A_134 = arith.addf %add3A_128, %get3A_133 : vector<256x128xf32>
    %get3A_135 = arith.constant 0 : index
    %get3A_136 = arith.constant 23 : index
    %get3A_137 = arith.constant 0 : index
    %get3A_138 = vector.load %arg1[%get3A_135, %get3A_136, %get3A_137] : memref<256x50x128xf32, #tpu.memory_space<vmem>>, vector<256x1x128xf32>
    %get3A_139 = vector.shape_cast %get3A_138 : vector<256x1x128xf32> to vector<256x128xf32>
    %add3A_140 = arith.addf %add3A_134, %get3A_139 : vector<256x128xf32>
    %get3A_141 = arith.constant 0 : index
    %get3A_142 = arith.constant 24 : index
    %get3A_143 = arith.constant 0 : index
    %get3A_144 = vector.load %arg1[%get3A_141, %get3A_142, %get3A_143] : memref<256x50x128xf32, #tpu.memory_space<vmem>>, vector<256x1x128xf32>
    %get3A_145 = vector.shape_cast %get3A_144 : vector<256x1x128xf32> to vector<256x128xf32>
    %add3A_146 = arith.addf %add3A_140, %get3A_145 : vector<256x128xf32>
    %get3A_147 = arith.constant 0 : index
    %get3A_148 = arith.constant 25 : index
    %get3A_149 = arith.constant 0 : index
    %get3A_150 = vector.load %arg1[%get3A_147, %get3A_148, %get3A_149] : memref<256x50x128xf32, #tpu.memory_space<vmem>>, vector<256x1x128xf32>
    %get3A_151 = vector.shape_cast %get3A_150 : vector<256x1x128xf32> to vector<256x128xf32>
    %add3A_152 = arith.addf %add3A_146, %get3A_151 : vector<256x128xf32>
    %get3A_153 = arith.constant 0 : index
    %get3A_154 = arith.constant 26 : index
    %get3A_155 = arith.constant 0 : index
    %get3A_156 = vector.load %arg1[%get3A_153, %get3A_154, %get3A_155] : memref<256x50x128xf32, #tpu.memory_space<vmem>>, vector<256x1x128xf32>
    %get3A_157 = vector.shape_cast %get3A_156 : vector<256x1x128xf32> to vector<256x128xf32>
    %add3A_158 = arith.addf %add3A_152, %get3A_157 : vector<256x128xf32>
    %get3A_159 = arith.constant 0 : index
    %get3A_160 = arith.constant 27 : index
    %get3A_161 = arith.constant 0 : index
    %get3A_162 = vector.load %arg1[%get3A_159, %get3A_160, %get3A_161] : memref<256x50x128xf32, #tpu.memory_space<vmem>>, vector<256x1x128xf32>
    %get3A_163 = vector.shape_cast %get3A_162 : vector<256x1x128xf32> to vector<256x128xf32>
    %add3A_164 = arith.addf %add3A_158, %get3A_163 : vector<256x128xf32>
    %get3A_165 = arith.constant 0 : index
    %get3A_166 = arith.constant 28 : index
    %get3A_167 = arith.constant 0 : index
    %get3A_168 = vector.load %arg1[%get3A_165, %get3A_166, %get3A_167] : memref<256x50x128xf32, #tpu.memory_space<vmem>>, vector<256x1x128xf32>
    %get3A_169 = vector.shape_cast %get3A_168 : vector<256x1x128xf32> to vector<256x128xf32>
    %add3A_170 = arith.addf %add3A_164, %get3A_169 : vector<256x128xf32>
    %get3A_171 = arith.constant 0 : index
    %get3A_172 = arith.constant 29 : index
    %get3A_173 = arith.constant 0 : index
    %get3A_174 = vector.load %arg1[%get3A_171, %get3A_172, %get3A_173] : memref<256x50x128xf32, #tpu.memory_space<vmem>>, vector<256x1x128xf32>
    %get3A_175 = vector.shape_cast %get3A_174 : vector<256x1x128xf32> to vector<256x128xf32>
    %add3A_176 = arith.addf %add3A_170, %get3A_175 : vector<256x128xf32>
    %get3A_177 = arith.constant 0 : index
    %get3A_178 = arith.constant 30 : index
    %get3A_179 = arith.constant 0 : index
    %get3A_180 = vector.load %arg1[%get3A_177, %get3A_178, %get3A_179] : memref<256x50x128xf32, #tpu.memory_space<vmem>>, vector<256x1x128xf32>
    %get3A_181 = vector.shape_cast %get3A_180 : vector<256x1x128xf32> to vector<256x128xf32>
    %add3A_182 = arith.addf %add3A_176, %get3A_181 : vector<256x128xf32>
    %get3A_183 = arith.constant 0 : index
    %get3A_184 = arith.constant 31 : index
    %get3A_185 = arith.constant 0 : index
    %get3A_186 = vector.load %arg1[%get3A_183, %get3A_184, %get3A_185] : memref<256x50x128xf32, #tpu.memory_space<vmem>>, vector<256x1x128xf32>
    %get3A_187 = vector.shape_cast %get3A_186 : vector<256x1x128xf32> to vector<256x128xf32>
    %add3A_188 = arith.addf %add3A_182, %get3A_187 : vector<256x128xf32>
    %get3A_189 = arith.constant 0 : index
    %get3A_190 = arith.constant 32 : index
    %get3A_191 = arith.constant 0 : index
    %get3A_192 = vector.load %arg1[%get3A_189, %get3A_190, %get3A_191] : memref<256x50x128xf32, #tpu.memory_space<vmem>>, vector<256x1x128xf32>
    %get3A_193 = vector.shape_cast %get3A_192 : vector<256x1x128xf32> to vector<256x128xf32>
    %add3A_194 = arith.addf %add3A_188, %get3A_193 : vector<256x128xf32>
    %get3A_195 = arith.constant 0 : index
    %get3A_196 = arith.constant 33 : index
    %get3A_197 = arith.constant 0 : index
    %get3A_198 = vector.load %arg1[%get3A_195, %get3A_196, %get3A_197] : memref<256x50x128xf32, #tpu.memory_space<vmem>>, vector<256x1x128xf32>
    %get3A_199 = vector.shape_cast %get3A_198 : vector<256x1x128xf32> to vector<256x128xf32>
    %add3A_200 = arith.addf %add3A_194, %get3A_199 : vector<256x128xf32>
    %get3A_201 = arith.constant 0 : index
    %get3A_202 = arith.constant 34 : index
    %get3A_203 = arith.constant 0 : index
    %get3A_204 = vector.load %arg1[%get3A_201, %get3A_202, %get3A_203] : memref<256x50x128xf32, #tpu.memory_space<vmem>>, vector<256x1x128xf32>
    %get3A_205 = vector.shape_cast %get3A_204 : vector<256x1x128xf32> to vector<256x128xf32>
    %add3A_206 = arith.addf %add3A_200, %get3A_205 : vector<256x128xf32>
    %get3A_207 = arith.constant 0 : index
    %get3A_208 = arith.constant 35 : index
    %get3A_209 = arith.constant 0 : index
    %get3A_210 = vector.load %arg1[%get3A_207, %get3A_208, %get3A_209] : memref<256x50x128xf32, #tpu.memory_space<vmem>>, vector<256x1x128xf32>
    %get3A_211 = vector.shape_cast %get3A_210 : vector<256x1x128xf32> to vector<256x128xf32>
    %add3A_212 = arith.addf %add3A_206, %get3A_211 : vector<256x128xf32>
    %get3A_213 = arith.constant 0 : index
    %get3A_214 = arith.constant 36 : index
    %get3A_215 = arith.constant 0 : index
    %get3A_216 = vector.load %arg1[%get3A_213, %get3A_214, %get3A_215] : memref<256x50x128xf32, #tpu.memory_space<vmem>>, vector<256x1x128xf32>
    %get3A_217 = vector.shape_cast %get3A_216 : vector<256x1x128xf32> to vector<256x128xf32>
    %add3A_218 = arith.addf %add3A_212, %get3A_217 : vector<256x128xf32>
    %get3A_219 = arith.constant 0 : index
    %get3A_220 = arith.constant 37 : index
    %get3A_221 = arith.constant 0 : index
    %get3A_222 = vector.load %arg1[%get3A_219, %get3A_220, %get3A_221] : memref<256x50x128xf32, #tpu.memory_space<vmem>>, vector<256x1x128xf32>
    %get3A_223 = vector.shape_cast %get3A_222 : vector<256x1x128xf32> to vector<256x128xf32>
    %add3A_224 = arith.addf %add3A_218, %get3A_223 : vector<256x128xf32>
    %get3A_225 = arith.constant 0 : index
    %get3A_226 = arith.constant 38 : index
    %get3A_227 = arith.constant 0 : index
    %get3A_228 = vector.load %arg1[%get3A_225, %get3A_226, %get3A_227] : memref<256x50x128xf32, #tpu.memory_space<vmem>>, vector<256x1x128xf32>
    %get3A_229 = vector.shape_cast %get3A_228 : vector<256x1x128xf32> to vector<256x128xf32>
    %add3A_230 = arith.addf %add3A_224, %get3A_229 : vector<256x128xf32>
    %get3A_231 = arith.constant 0 : index
    %get3A_232 = arith.constant 39 : index
    %get3A_233 = arith.constant 0 : index
    %get3A_234 = vector.load %arg1[%get3A_231, %get3A_232, %get3A_233] : memref<256x50x128xf32, #tpu.memory_space<vmem>>, vector<256x1x128xf32>
    %get3A_235 = vector.shape_cast %get3A_234 : vector<256x1x128xf32> to vector<256x128xf32>
    %add3A_236 = arith.addf %add3A_230, %get3A_235 : vector<256x128xf32>
    %get3A_237 = arith.constant 0 : index
    %get3A_238 = arith.constant 40 : index
    %get3A_239 = arith.constant 0 : index
    %get3A_240 = vector.load %arg1[%get3A_237, %get3A_238, %get3A_239] : memref<256x50x128xf32, #tpu.memory_space<vmem>>, vector<256x1x128xf32>
    %get3A_241 = vector.shape_cast %get3A_240 : vector<256x1x128xf32> to vector<256x128xf32>
    %add3A_242 = arith.addf %add3A_236, %get3A_241 : vector<256x128xf32>
    %get3A_243 = arith.constant 0 : index
    %get3A_244 = arith.constant 41 : index
    %get3A_245 = arith.constant 0 : index
    %get3A_246 = vector.load %arg1[%get3A_243, %get3A_244, %get3A_245] : memref<256x50x128xf32, #tpu.memory_space<vmem>>, vector<256x1x128xf32>
    %get3A_247 = vector.shape_cast %get3A_246 : vector<256x1x128xf32> to vector<256x128xf32>
    %add3A_248 = arith.addf %add3A_242, %get3A_247 : vector<256x128xf32>
    %get3A_249 = arith.constant 0 : index
    %get3A_250 = arith.constant 42 : index
    %get3A_251 = arith.constant 0 : index
    %get3A_252 = vector.load %arg1[%get3A_249, %get3A_250, %get3A_251] : memref<256x50x128xf32, #tpu.memory_space<vmem>>, vector<256x1x128xf32>
    %get3A_253 = vector.shape_cast %get3A_252 : vector<256x1x128xf32> to vector<256x128xf32>
    %add3A_254 = arith.addf %add3A_248, %get3A_253 : vector<256x128xf32>
    %get3A_255 = arith.constant 0 : index
    %get3A_256 = arith.constant 43 : index
    %get3A_257 = arith.constant 0 : index
    %get3A_258 = vector.load %arg1[%get3A_255, %get3A_256, %get3A_257] : memref<256x50x128xf32, #tpu.memory_space<vmem>>, vector<256x1x128xf32>
    %get3A_259 = vector.shape_cast %get3A_258 : vector<256x1x128xf32> to vector<256x128xf32>
    %add3A_260 = arith.addf %add3A_254, %get3A_259 : vector<256x128xf32>
    %get3A_261 = arith.constant 0 : index
    %get3A_262 = arith.constant 44 : index
    %get3A_263 = arith.constant 0 : index
    %get3A_264 = vector.load %arg1[%get3A_261, %get3A_262, %get3A_263] : memref<256x50x128xf32, #tpu.memory_space<vmem>>, vector<256x1x128xf32>
    %get3A_265 = vector.shape_cast %get3A_264 : vector<256x1x128xf32> to vector<256x128xf32>
    %add3A_266 = arith.addf %add3A_260, %get3A_265 : vector<256x128xf32>
    %get3A_267 = arith.constant 0 : index
    %get3A_268 = arith.constant 45 : index
    %get3A_269 = arith.constant 0 : index
    %get3A_270 = vector.load %arg1[%get3A_267, %get3A_268, %get3A_269] : memref<256x50x128xf32, #tpu.memory_space<vmem>>, vector<256x1x128xf32>
    %get3A_271 = vector.shape_cast %get3A_270 : vector<256x1x128xf32> to vector<256x128xf32>
    %add3A_272 = arith.addf %add3A_266, %get3A_271 : vector<256x128xf32>
    %get3A_273 = arith.constant 0 : index
    %get3A_274 = arith.constant 46 : index
    %get3A_275 = arith.constant 0 : index
    %get3A_276 = vector.load %arg1[%get3A_273, %get3A_274, %get3A_275] : memref<256x50x128xf32, #tpu.memory_space<vmem>>, vector<256x1x128xf32>
    %get3A_277 = vector.shape_cast %get3A_276 : vector<256x1x128xf32> to vector<256x128xf32>
    %add3A_278 = arith.addf %add3A_272, %get3A_277 : vector<256x128xf32>
    %get3A_279 = arith.constant 0 : index
    %get3A_280 = arith.constant 47 : index
    %get3A_281 = arith.constant 0 : index
    %get3A_282 = vector.load %arg1[%get3A_279, %get3A_280, %get3A_281] : memref<256x50x128xf32, #tpu.memory_space<vmem>>, vector<256x1x128xf32>
    %get3A_283 = vector.shape_cast %get3A_282 : vector<256x1x128xf32> to vector<256x128xf32>
    %add3A_284 = arith.addf %add3A_278, %get3A_283 : vector<256x128xf32>
    %get3A_285 = arith.constant 0 : index
    %get3A_286 = arith.constant 48 : index
    %get3A_287 = arith.constant 0 : index
    %get3A_288 = vector.load %arg1[%get3A_285, %get3A_286, %get3A_287] : memref<256x50x128xf32, #tpu.memory_space<vmem>>, vector<256x1x128xf32>
    %get3A_289 = vector.shape_cast %get3A_288 : vector<256x1x128xf32> to vector<256x128xf32>
    %add3A_290 = arith.addf %add3A_284, %get3A_289 : vector<256x128xf32>
    %get3A_291 = arith.constant 0 : index
    %get3A_292 = arith.constant 49 : index
    %get3A_293 = arith.constant 0 : index
    %get3A_294 = vector.load %arg1[%get3A_291, %get3A_292, %get3A_293] : memref<256x50x128xf32, #tpu.memory_space<vmem>>, vector<256x1x128xf32>
    %get3A_295 = vector.shape_cast %get3A_294 : vector<256x1x128xf32> to vector<256x128xf32>
    %add3A_296 = arith.addf %add3A_290, %get3A_295 : vector<256x128xf32>
    %mul3A = arith.constant 2.000000e-02 : f32
    %mul3A_297 = vector.broadcast %mul3A : f32 to vector<256x128xf32>
    %mul3A_298 = arith.mulf %add3A_296, %mul3A_297 : vector<256x128xf32>
    %get3A_299 = arith.constant 0 : index
    %get3A_300 = arith.constant 0 : index
    %get3A_301 = vector.load %arg2[%get3A_299, %get3A_300] : memref<128x128xf32, #tpu.memory_space<vmem>>, vector<128x128xf32>
    %dot_general3A = arith.constant dense<0.000000e+00> : vector<256x128xf32>
    %dot_general3A_302 = tpu.matmul %mul3A_298, %get3A_301, %dot_general3A {dimension_numbers = #tpu.dot_dimension_numbers<[1], [0], [0], [1], [0, 0, 1, 1], [], []>, transpose_lhs_hint = false} : vector<256x128xf32>, vector<128x128xf32>, vector<256x128xf32> -> vector<256x128xf32>
    %get3A_303 = arith.constant 0 : index
    %get3A_304 = arith.constant 0 : index
    %get3A_305 = vector.load %arg3[%get3A_303, %get3A_304] : memref<1x128xf32, #tpu.memory_space<vmem>>, vector<1x128xf32>
    %add3A_306 = vector.broadcast %get3A_305 : vector<1x128xf32> to vector<256x128xf32>
    %add3A_307 = arith.addf %dot_general3A_302, %add3A_306 : vector<256x128xf32>
    %tanh3A = math.tanh %add3A_307 : vector<256x128xf32>
    %get3A_308 = arith.constant 0 : index
    %get3A_309 = arith.constant 0 : index
    %get3A_310 = vector.load %arg4[%get3A_308, %get3A_309] : memref<128x32xf32, #tpu.memory_space<vmem>>, vector<128x32xf32>
    %dot_general3A_311 = arith.constant dense<0.000000e+00> : vector<256x32xf32>
    %dot_general3A_312 = tpu.matmul %tanh3A, %get3A_310, %dot_general3A_311 {dimension_numbers = #tpu.dot_dimension_numbers<[1], [0], [0], [1], [0, 0, 1, 1], [], []>, transpose_lhs_hint = false} : vector<256x128xf32>, vector<128x32xf32>, vector<256x32xf32> -> vector<256x32xf32>
    %get3A_313 = arith.constant 0 : index
    %get3A_314 = arith.constant 0 : index
    %get3A_315 = vector.load %arg5[%get3A_313, %get3A_314] : memref<1x32xf32, #tpu.memory_space<vmem>>, vector<1x32xf32>
    %add3A_316 = vector.broadcast %get3A_315 : vector<1x32xf32> to vector<256x32xf32>
    %add3A_317 = arith.addf %dot_general3A_312, %add3A_316 : vector<256x32xf32>
    %swap3A = arith.constant 0 : index
    %swap3A_318 = arith.constant 0 : index
    %swap3A_319 = vector.load %arg6[%swap3A, %swap3A_318] : memref<256x32xf32, #tpu.memory_space<vmem>>, vector<256x32xf32>
    tpu.vector_store %arg6[%swap3A, %swap3A_318], %add3A_317 {strides = array<i32>} : memref<256x32xf32, #tpu.memory_space<vmem>>, vector<256x32xf32>,
    return
  }
  func.func @transform_0(%arg0: i32) -> (i32, i32, i32) {
    %c0_i32 = arith.constant 0 : i32
    %c0_i32_0 = arith.constant 0 : i32
    %c0_i32_1 = arith.constant 0 : i32
    return %arg0, %c0_i32, %c0_i32_0 : i32, i32, i32
  }
  func.func @transform_1(%arg0: i32) -> (i32, i32) {
    %c0_i32 = arith.constant 0 : i32
    %c0_i32_0 = arith.constant 0 : i32
    %c0_i32_1 = arith.constant 0 : i32
    return %c0_i32, %c0_i32_0 : i32, i32
  }
  func.func @transform_2(%arg0: i32) -> (i32, i32) {
    %c0_i32 = arith.constant 0 : i32
    %c0_i32_0 = arith.constant 0 : i32
    %c0_i32_1 = arith.constant 0 : i32
    return %c0_i32, %c0_i32_0 : i32, i32
  }
  func.func @transform_3(%arg0: i32) -> (i32, i32) {
    %c0_i32 = arith.constant 0 : i32
    %c0_i32_0 = arith.constant 0 : i32
    %c0_i32_1 = arith.constant 0 : i32
    return %c0_i32, %c0_i32_0 : i32, i32
  }
  func.func @transform_4(%arg0: i32) -> (i32, i32) {
    %c0_i32 = arith.constant 0 : i32
    %c0_i32_0 = arith.constant 0 : i32
    %c0_i32_1 = arith.constant 0 : i32
    return %c0_i32, %c0_i32_0 : i32, i32
  }
  func.func @transform_5(%arg0: i32) -> (i32, i32) {
    %c0_i32 = arith.constant 0 : i32
    %c0_i32_0 = arith.constant 0 : i32
    return %arg0, %c0_i32 : i32, i32
  }
}

module attributes {stable_mosaic.version = 14 : i64} {
  func.func @_topk_body(%arg0: i32, %arg1: memref<1024x32xf32, #tpu.memory_space<vmem>>, %arg2: memref<2048x32xf32, #tpu.memory_space<vmem>>, %arg3: memref<1024x3xi32, #tpu.memory_space<vmem>>, %arg4: memref<1024x2048xf32, #tpu.memory_space<vmem>>, %arg5: memref<1024x128xf32, #tpu.memory_space<vmem>>, %arg6: memref<1024x128xf32, #tpu.memory_space<vmem>>, %arg7: memref<1024x128xf32, #tpu.memory_space<vmem>>, %arg8: memref<1024x128xf32, #tpu.memory_space<vmem>>, %arg9: memref<1024x128xf32, #tpu.memory_space<vmem>>, %arg10: memref<1024x128xf32, #tpu.memory_space<vmem>>) attributes {dimension_semantics = [#tpu.dimension_semantics<arbitrary>], iteration_bounds = array<i64: 49>, scalar_prefetch = 0 : i64, scratch_operands = 7 : i64, tpu.core_type = #tpu.core_type<tc>, window_params = [{pipeline_mode = #tpu.pipeline_mode<synchronous>, transform_indices = @transform_0, window_bounds = array<i64: 1024, 32>}, {transform_indices = @transform_1, window_bounds = array<i64: 2048, 32>}, {pipeline_mode = #tpu.pipeline_mode<synchronous>, transform_indices = @transform_2, window_bounds = array<i64: 1024, 3>}]} {
    %eq3A = arith.constant 0 : i32
    %eq3A_0 = arith.cmpi eq, %arg0, %eq3A : i32
    %convert_element_type3A = arith.extui %eq3A_0 : i1 to i32
    %cond3A = arith.constant 0 : i32
    %cond3A_1 = arith.cmpi ne, %convert_element_type3A, %cond3A : i32
    scf.if %cond3A_1 {
      %broadcast_in_dim3A = arith.constant -1.000000e+00 : f32
      %broadcast_in_dim3A_28 = vector.broadcast %broadcast_in_dim3A : f32 to vector<1024x128xf32>
      %swap3A_29 = arith.constant 0 : index
      %swap3A_30 = arith.constant 0 : index
      %swap3A_31 = vector.load %arg5[%swap3A_29, %swap3A_30] : memref<1024x128xf32, #tpu.memory_space<vmem>>, vector<1024x128xf32>
      tpu.vector_store %arg5[%swap3A_29, %swap3A_30], %broadcast_in_dim3A_28 {strides = array<i32>} : memref<1024x128xf32, #tpu.memory_space<vmem>>, vector<1024x128xf32>,
      %broadcast_in_dim3A_32 = arith.constant -1.000000e+00 : f32
      %broadcast_in_dim3A_33 = vector.broadcast %broadcast_in_dim3A_32 : f32 to vector<1024x128xf32>
      %swap3A_34 = arith.constant 0 : index
      %swap3A_35 = arith.constant 0 : index
      %swap3A_36 = vector.load %arg6[%swap3A_34, %swap3A_35] : memref<1024x128xf32, #tpu.memory_space<vmem>>, vector<1024x128xf32>
      tpu.vector_store %arg6[%swap3A_34, %swap3A_35], %broadcast_in_dim3A_33 {strides = array<i32>} : memref<1024x128xf32, #tpu.memory_space<vmem>>, vector<1024x128xf32>,
      %broadcast_in_dim3A_37 = arith.constant -1.000000e+00 : f32
      %broadcast_in_dim3A_38 = vector.broadcast %broadcast_in_dim3A_37 : f32 to vector<1024x128xf32>
      %swap3A_39 = arith.constant 0 : index
      %swap3A_40 = arith.constant 0 : index
      %swap3A_41 = vector.load %arg7[%swap3A_39, %swap3A_40] : memref<1024x128xf32, #tpu.memory_space<vmem>>, vector<1024x128xf32>
      tpu.vector_store %arg7[%swap3A_39, %swap3A_40], %broadcast_in_dim3A_38 {strides = array<i32>} : memref<1024x128xf32, #tpu.memory_space<vmem>>, vector<1024x128xf32>,
      %broadcast_in_dim3A_42 = arith.constant 0.000000e+00 : f32
      %broadcast_in_dim3A_43 = vector.broadcast %broadcast_in_dim3A_42 : f32 to vector<1024x128xf32>
      %swap3A_44 = arith.constant 0 : index
      %swap3A_45 = arith.constant 0 : index
      %swap3A_46 = vector.load %arg8[%swap3A_44, %swap3A_45] : memref<1024x128xf32, #tpu.memory_space<vmem>>, vector<1024x128xf32>
      tpu.vector_store %arg8[%swap3A_44, %swap3A_45], %broadcast_in_dim3A_43 {strides = array<i32>} : memref<1024x128xf32, #tpu.memory_space<vmem>>, vector<1024x128xf32>,
      %broadcast_in_dim3A_47 = arith.constant 0.000000e+00 : f32
      %broadcast_in_dim3A_48 = vector.broadcast %broadcast_in_dim3A_47 : f32 to vector<1024x128xf32>
      %swap3A_49 = arith.constant 0 : index
      %swap3A_50 = arith.constant 0 : index
      %swap3A_51 = vector.load %arg9[%swap3A_49, %swap3A_50] : memref<1024x128xf32, #tpu.memory_space<vmem>>, vector<1024x128xf32>
      tpu.vector_store %arg9[%swap3A_49, %swap3A_50], %broadcast_in_dim3A_48 {strides = array<i32>} : memref<1024x128xf32, #tpu.memory_space<vmem>>, vector<1024x128xf32>,
      %broadcast_in_dim3A_52 = arith.constant 0.000000e+00 : f32
      %broadcast_in_dim3A_53 = vector.broadcast %broadcast_in_dim3A_52 : f32 to vector<1024x128xf32>
      %swap3A_54 = arith.constant 0 : index
      %swap3A_55 = arith.constant 0 : index
      %swap3A_56 = vector.load %arg10[%swap3A_54, %swap3A_55] : memref<1024x128xf32, #tpu.memory_space<vmem>>, vector<1024x128xf32>
      tpu.vector_store %arg10[%swap3A_54, %swap3A_55], %broadcast_in_dim3A_53 {strides = array<i32>} : memref<1024x128xf32, #tpu.memory_space<vmem>>, vector<1024x128xf32>,
    } else {
    }
    %get3A = arith.constant 0 : index
    %get3A_2 = arith.constant 0 : index
    %get3A_3 = vector.load %arg1[%get3A, %get3A_2] : memref<1024x32xf32, #tpu.memory_space<vmem>>, vector<1024x32xf32>
    %get3A_4 = arith.constant 0 : index
    %get3A_5 = arith.constant 0 : index
    %get3A_6 = vector.load %arg2[%get3A_4, %get3A_5] : memref<2048x32xf32, #tpu.memory_space<vmem>>, vector<2048x32xf32>
    %dot_general3A = arith.constant dense<0.000000e+00> : vector<1024x2048xf32>
    %dot_general3A_7 = tpu.matmul %get3A_3, %get3A_6, %dot_general3A {dimension_numbers = #tpu.dot_dimension_numbers<[1], [1], [0], [0], [0, 0, 1, 0], [], []>, transpose_lhs_hint = false} : vector<1024x32xf32>, vector<2048x32xf32>, vector<1024x2048xf32> -> vector<1024x2048xf32>
    %mul3A = arith.mulf %dot_general3A_7, %dot_general3A_7 : vector<1024x2048xf32>
    %swap3A = arith.constant 0 : index
    %swap3A_8 = arith.constant 0 : index
    %swap3A_9 = vector.load %arg4[%swap3A, %swap3A_8] : memref<1024x2048xf32, #tpu.memory_space<vmem>>, vector<1024x2048xf32>
    tpu.vector_store %arg4[%swap3A, %swap3A_8], %mul3A {strides = array<i32>} : memref<1024x2048xf32, #tpu.memory_space<vmem>>, vector<1024x2048xf32>,
    %mul3A_10 = arith.constant 2048 : i32
    %mul3A_11 = arith.muli %arg0, %mul3A_10 : i32
    %eq3A_12 = arith.constant 48 : i32
    %eq3A_13 = arith.cmpi eq, %arg0, %eq3A_12 : i32
    %convert_element_type3A_14 = arith.extui %eq3A_13 : i1 to i32
    %cond3A_15 = arith.constant 0 : i32
    %cond3A_16 = arith.cmpi ne, %convert_element_type3A_14, %cond3A_15 : i32
    scf.if %cond3A_16 {
      %iota3A_28 = tpu.iota {dimensions = array<i32: 1>} : vector<1024x2048xi32>
      %sub3A = arith.constant 100000 : i32
      %sub3A_29 = arith.subi %sub3A, %mul3A_11 : i32
      %lt3A = vector.broadcast %sub3A_29 : i32 to vector<1024x2048xi32>
      %lt3A_30 = arith.cmpi slt, %iota3A_28, %lt3A : vector<1024x2048xi32>
      %get3A_31 = arith.constant 0 : index
      %get3A_32 = arith.constant 0 : index
      %get3A_33 = vector.load %arg4[%get3A_31, %get3A_32] : memref<1024x2048xf32, #tpu.memory_space<vmem>>, vector<1024x2048xf32>
      %jit3A = arith.constant -1.000000e+00 : f32
      %broadcast_in_dim3A = vector.broadcast %jit3A : f32 to vector<1024x2048xf32>
      %select_n3A = arith.select %lt3A_30, %get3A_33, %broadcast_in_dim3A : vector<1024x2048xi1>, vector<1024x2048xf32>
      %swap3A_34 = arith.constant 0 : index
      %swap3A_35 = arith.constant 0 : index
      %swap3A_36 = vector.load %arg4[%swap3A_34, %swap3A_35] : memref<1024x2048xf32, #tpu.memory_space<vmem>>, vector<1024x2048xf32>
      tpu.vector_store %arg4[%swap3A_34, %swap3A_35], %select_n3A {strides = array<i32>} : memref<1024x2048xf32, #tpu.memory_space<vmem>>, vector<1024x2048xf32>,
    } else {
    }
    %convert_element_type3A_17 = arith.sitofp %mul3A_11 : i32 to f32
    %iota3A = tpu.iota {dimensions = array<i32: 1>} : vector<8x128xi32>
    %convert_element_type3A_18 = arith.sitofp %iota3A : vector<8x128xi32> to vector<8x128xf32>
    %scan3A = arith.constant 0 : i32
    %scan3A_19 = arith.constant 64 : i32
    %scan3A_20 = arith.addi %scan3A, %scan3A_19 : i32
    %scan3A_21 = arith.constant 1 : i32
    scf.for %scan3A_28 = %scan3A to %scan3A_20 step %scan3A_21  : i32 {
      %mul3A_29 = arith.constant 2 : i32
      %mul3A_30 = arith.muli %scan3A_28, %mul3A_29 : i32
      %add3A = arith.constant 0 : i32
      %add3A_31 = arith.addi %mul3A_30, %add3A : i32
      %mul3A_32 = arith.constant 8 : i32
      %mul3A_33 = arith.muli %add3A_31, %mul3A_32 : i32
      %get3A_34 = arith.index_cast %mul3A_33 : i32 to index
      %get3A_35 = arith.constant 0 : index
      %get3A_36 = vector.load %arg5[%get3A_34, %get3A_35] : memref<1024x128xf32, #tpu.memory_space<vmem>>, vector<8x128xf32>
      %get3A_37 = arith.index_cast %mul3A_33 : i32 to index
      %get3A_38 = arith.constant 0 : index
      %get3A_39 = vector.load %arg6[%get3A_37, %get3A_38] : memref<1024x128xf32, #tpu.memory_space<vmem>>, vector<8x128xf32>
      %get3A_40 = arith.index_cast %mul3A_33 : i32 to index
      %get3A_41 = arith.constant 0 : index
      %get3A_42 = vector.load %arg7[%get3A_40, %get3A_41] : memref<1024x128xf32, #tpu.memory_space<vmem>>, vector<8x128xf32>
      %get3A_43 = arith.index_cast %mul3A_33 : i32 to index
      %get3A_44 = arith.constant 0 : index
      %get3A_45 = vector.load %arg8[%get3A_43, %get3A_44] : memref<1024x128xf32, #tpu.memory_space<vmem>>, vector<8x128xf32>
      %get3A_46 = arith.index_cast %mul3A_33 : i32 to index
      %get3A_47 = arith.constant 0 : index
      %get3A_48 = vector.load %arg9[%get3A_46, %get3A_47] : memref<1024x128xf32, #tpu.memory_space<vmem>>, vector<8x128xf32>
      %get3A_49 = arith.index_cast %mul3A_33 : i32 to index
      %get3A_50 = arith.constant 0 : index
      %get3A_51 = vector.load %arg10[%get3A_49, %get3A_50] : memref<1024x128xf32, #tpu.memory_space<vmem>>, vector<8x128xf32>
      %get3A_52 = arith.index_cast %mul3A_33 : i32 to index
      %get3A_53 = arith.constant 0 : index
      %get3A_54 = vector.load %arg4[%get3A_52, %get3A_53] : memref<1024x2048xf32, #tpu.memory_space<vmem>>, vector<8x128xf32>
      %add3A_55 = arith.constant 0.000000e+00 : f32
      %add3A_56 = arith.addf %convert_element_type3A_17, %add3A_55 : f32
      %add3A_57 = vector.broadcast %add3A_56 : f32 to vector<8x128xf32>
      %add3A_58 = arith.addf %convert_element_type3A_18, %add3A_57 : vector<8x128xf32>
      %gt3A = arith.cmpf ogt, %get3A_54, %get3A_36 : vector<8x128xf32>
      %select_n3A = arith.select %gt3A, %get3A_54, %get3A_36 : vector<8x128xi1>, vector<8x128xf32>
      %select_n3A_59 = arith.select %gt3A, %get3A_36, %get3A_54 : vector<8x128xi1>, vector<8x128xf32>
      %select_n3A_60 = arith.select %gt3A, %add3A_58, %get3A_45 : vector<8x128xi1>, vector<8x128xf32>
      %select_n3A_61 = arith.select %gt3A, %get3A_45, %add3A_58 : vector<8x128xi1>, vector<8x128xf32>
      %gt3A_62 = arith.cmpf ogt, %select_n3A_59, %get3A_39 : vector<8x128xf32>
      %select_n3A_63 = arith.select %gt3A_62, %select_n3A_59, %get3A_39 : vector<8x128xi1>, vector<8x128xf32>
      %select_n3A_64 = arith.select %gt3A_62, %get3A_39, %select_n3A_59 : vector<8x128xi1>, vector<8x128xf32>
      %select_n3A_65 = arith.select %gt3A_62, %select_n3A_61, %get3A_48 : vector<8x128xi1>, vector<8x128xf32>
      %select_n3A_66 = arith.select %gt3A_62, %get3A_48, %select_n3A_61 : vector<8x128xi1>, vector<8x128xf32>
      %gt3A_67 = arith.cmpf ogt, %select_n3A_64, %get3A_42 : vector<8x128xf32>
      %select_n3A_68 = arith.select %gt3A_67, %select_n3A_64, %get3A_42 : vector<8x128xi1>, vector<8x128xf32>
      %select_n3A_69 = arith.select %gt3A_67, %select_n3A_66, %get3A_51 : vector<8x128xi1>, vector<8x128xf32>
      %get3A_70 = arith.index_cast %mul3A_33 : i32 to index
      %get3A_71 = arith.constant 128 : index
      %get3A_72 = vector.load %arg4[%get3A_70, %get3A_71] : memref<1024x2048xf32, #tpu.memory_space<vmem>>, vector<8x128xf32>
      %add3A_73 = arith.constant 1.280000e+02 : f32
      %add3A_74 = arith.addf %convert_element_type3A_17, %add3A_73 : f32
      %add3A_75 = vector.broadcast %add3A_74 : f32 to vector<8x128xf32>
      %add3A_76 = arith.addf %convert_element_type3A_18, %add3A_75 : vector<8x128xf32>
      %gt3A_77 = arith.cmpf ogt, %get3A_72, %select_n3A : vector<8x128xf32>
      %select_n3A_78 = arith.select %gt3A_77, %get3A_72, %select_n3A : vector<8x128xi1>, vector<8x128xf32>
      %select_n3A_79 = arith.select %gt3A_77, %select_n3A, %get3A_72 : vector<8x128xi1>, vector<8x128xf32>
      %select_n3A_80 = arith.select %gt3A_77, %add3A_76, %select_n3A_60 : vector<8x128xi1>, vector<8x128xf32>
      %select_n3A_81 = arith.select %gt3A_77, %select_n3A_60, %add3A_76 : vector<8x128xi1>, vector<8x128xf32>
      %gt3A_82 = arith.cmpf ogt, %select_n3A_79, %select_n3A_63 : vector<8x128xf32>
      %select_n3A_83 = arith.select %gt3A_82, %select_n3A_79, %select_n3A_63 : vector<8x128xi1>, vector<8x128xf32>
      %select_n3A_84 = arith.select %gt3A_82, %select_n3A_63, %select_n3A_79 : vector<8x128xi1>, vector<8x128xf32>
      %select_n3A_85 = arith.select %gt3A_82, %select_n3A_81, %select_n3A_65 : vector<8x128xi1>, vector<8x128xf32>
      %select_n3A_86 = arith.select %gt3A_82, %select_n3A_65, %select_n3A_81 : vector<8x128xi1>, vector<8x128xf32>
      %gt3A_87 = arith.cmpf ogt, %select_n3A_84, %select_n3A_68 : vector<8x128xf32>
      %select_n3A_88 = arith.select %gt3A_87, %select_n3A_84, %select_n3A_68 : vector<8x128xi1>, vector<8x128xf32>
      %select_n3A_89 = arith.select %gt3A_87, %select_n3A_86, %select_n3A_69 : vector<8x128xi1>, vector<8x128xf32>
      %get3A_90 = arith.index_cast %mul3A_33 : i32 to index
      %get3A_91 = arith.constant 256 : index
      %get3A_92 = vector.load %arg4[%get3A_90, %get3A_91] : memref<1024x2048xf32, #tpu.memory_space<vmem>>, vector<8x128xf32>
      %add3A_93 = arith.constant 2.560000e+02 : f32
      %add3A_94 = arith.addf %convert_element_type3A_17, %add3A_93 : f32
      %add3A_95 = vector.broadcast %add3A_94 : f32 to vector<8x128xf32>
      %add3A_96 = arith.addf %convert_element_type3A_18, %add3A_95 : vector<8x128xf32>
      %gt3A_97 = arith.cmpf ogt, %get3A_92, %select_n3A_78 : vector<8x128xf32>
      %select_n3A_98 = arith.select %gt3A_97, %get3A_92, %select_n3A_78 : vector<8x128xi1>, vector<8x128xf32>
      %select_n3A_99 = arith.select %gt3A_97, %select_n3A_78, %get3A_92 : vector<8x128xi1>, vector<8x128xf32>
      %select_n3A_100 = arith.select %gt3A_97, %add3A_96, %select_n3A_80 : vector<8x128xi1>, vector<8x128xf32>
      %select_n3A_101 = arith.select %gt3A_97, %select_n3A_80, %add3A_96 : vector<8x128xi1>, vector<8x128xf32>
      %gt3A_102 = arith.cmpf ogt, %select_n3A_99, %select_n3A_83 : vector<8x128xf32>
      %select_n3A_103 = arith.select %gt3A_102, %select_n3A_99, %select_n3A_83 : vector<8x128xi1>, vector<8x128xf32>
      %select_n3A_104 = arith.select %gt3A_102, %select_n3A_83, %select_n3A_99 : vector<8x128xi1>, vector<8x128xf32>
      %select_n3A_105 = arith.select %gt3A_102, %select_n3A_101, %select_n3A_85 : vector<8x128xi1>, vector<8x128xf32>
      %select_n3A_106 = arith.select %gt3A_102, %select_n3A_85, %select_n3A_101 : vector<8x128xi1>, vector<8x128xf32>
      %gt3A_107 = arith.cmpf ogt, %select_n3A_104, %select_n3A_88 : vector<8x128xf32>
      %select_n3A_108 = arith.select %gt3A_107, %select_n3A_104, %select_n3A_88 : vector<8x128xi1>, vector<8x128xf32>
      %select_n3A_109 = arith.select %gt3A_107, %select_n3A_106, %select_n3A_89 : vector<8x128xi1>, vector<8x128xf32>
      %get3A_110 = arith.index_cast %mul3A_33 : i32 to index
      %get3A_111 = arith.constant 384 : index
      %get3A_112 = vector.load %arg4[%get3A_110, %get3A_111] : memref<1024x2048xf32, #tpu.memory_space<vmem>>, vector<8x128xf32>
      %add3A_113 = arith.constant 3.840000e+02 : f32
      %add3A_114 = arith.addf %convert_element_type3A_17, %add3A_113 : f32
      %add3A_115 = vector.broadcast %add3A_114 : f32 to vector<8x128xf32>
      %add3A_116 = arith.addf %convert_element_type3A_18, %add3A_115 : vector<8x128xf32>
      %gt3A_117 = arith.cmpf ogt, %get3A_112, %select_n3A_98 : vector<8x128xf32>
      %select_n3A_118 = arith.select %gt3A_117, %get3A_112, %select_n3A_98 : vector<8x128xi1>, vector<8x128xf32>
      %select_n3A_119 = arith.select %gt3A_117, %select_n3A_98, %get3A_112 : vector<8x128xi1>, vector<8x128xf32>
      %select_n3A_120 = arith.select %gt3A_117, %add3A_116, %select_n3A_100 : vector<8x128xi1>, vector<8x128xf32>
      %select_n3A_121 = arith.select %gt3A_117, %select_n3A_100, %add3A_116 : vector<8x128xi1>, vector<8x128xf32>
      %gt3A_122 = arith.cmpf ogt, %select_n3A_119, %select_n3A_103 : vector<8x128xf32>
      %select_n3A_123 = arith.select %gt3A_122, %select_n3A_119, %select_n3A_103 : vector<8x128xi1>, vector<8x128xf32>
      %select_n3A_124 = arith.select %gt3A_122, %select_n3A_103, %select_n3A_119 : vector<8x128xi1>, vector<8x128xf32>
      %select_n3A_125 = arith.select %gt3A_122, %select_n3A_121, %select_n3A_105 : vector<8x128xi1>, vector<8x128xf32>
      %select_n3A_126 = arith.select %gt3A_122, %select_n3A_105, %select_n3A_121 : vector<8x128xi1>, vector<8x128xf32>
      %gt3A_127 = arith.cmpf ogt, %select_n3A_124, %select_n3A_108 : vector<8x128xf32>
      %select_n3A_128 = arith.select %gt3A_127, %select_n3A_124, %select_n3A_108 : vector<8x128xi1>, vector<8x128xf32>
      %select_n3A_129 = arith.select %gt3A_127, %select_n3A_126, %select_n3A_109 : vector<8x128xi1>, vector<8x128xf32>
      %get3A_130 = arith.index_cast %mul3A_33 : i32 to index
      %get3A_131 = arith.constant 512 : index
      %get3A_132 = vector.load %arg4[%get3A_130, %get3A_131] : memref<1024x2048xf32, #tpu.memory_space<vmem>>, vector<8x128xf32>
      %add3A_133 = arith.constant 5.120000e+02 : f32
      %add3A_134 = arith.addf %convert_element_type3A_17, %add3A_133 : f32
      %add3A_135 = vector.broadcast %add3A_134 : f32 to vector<8x128xf32>
      %add3A_136 = arith.addf %convert_element_type3A_18, %add3A_135 : vector<8x128xf32>
      %gt3A_137 = arith.cmpf ogt, %get3A_132, %select_n3A_118 : vector<8x128xf32>
      %select_n3A_138 = arith.select %gt3A_137, %get3A_132, %select_n3A_118 : vector<8x128xi1>, vector<8x128xf32>
      %select_n3A_139 = arith.select %gt3A_137, %select_n3A_118, %get3A_132 : vector<8x128xi1>, vector<8x128xf32>
      %select_n3A_140 = arith.select %gt3A_137, %add3A_136, %select_n3A_120 : vector<8x128xi1>, vector<8x128xf32>
      %select_n3A_141 = arith.select %gt3A_137, %select_n3A_120, %add3A_136 : vector<8x128xi1>, vector<8x128xf32>
      %gt3A_142 = arith.cmpf ogt, %select_n3A_139, %select_n3A_123 : vector<8x128xf32>
      %select_n3A_143 = arith.select %gt3A_142, %select_n3A_139, %select_n3A_123 : vector<8x128xi1>, vector<8x128xf32>
      %select_n3A_144 = arith.select %gt3A_142, %select_n3A_123, %select_n3A_139 : vector<8x128xi1>, vector<8x128xf32>
      %select_n3A_145 = arith.select %gt3A_142, %select_n3A_141, %select_n3A_125 : vector<8x128xi1>, vector<8x128xf32>
      %select_n3A_146 = arith.select %gt3A_142, %select_n3A_125, %select_n3A_141 : vector<8x128xi1>, vector<8x128xf32>
      %gt3A_147 = arith.cmpf ogt, %select_n3A_144, %select_n3A_128 : vector<8x128xf32>
      %select_n3A_148 = arith.select %gt3A_147, %select_n3A_144, %select_n3A_128 : vector<8x128xi1>, vector<8x128xf32>
      %select_n3A_149 = arith.select %gt3A_147, %select_n3A_146, %select_n3A_129 : vector<8x128xi1>, vector<8x128xf32>
      %get3A_150 = arith.index_cast %mul3A_33 : i32 to index
      %get3A_151 = arith.constant 640 : index
      %get3A_152 = vector.load %arg4[%get3A_150, %get3A_151] : memref<1024x2048xf32, #tpu.memory_space<vmem>>, vector<8x128xf32>
      %add3A_153 = arith.constant 6.400000e+02 : f32
      %add3A_154 = arith.addf %convert_element_type3A_17, %add3A_153 : f32
      %add3A_155 = vector.broadcast %add3A_154 : f32 to vector<8x128xf32>
      %add3A_156 = arith.addf %convert_element_type3A_18, %add3A_155 : vector<8x128xf32>
      %gt3A_157 = arith.cmpf ogt, %get3A_152, %select_n3A_138 : vector<8x128xf32>
      %select_n3A_158 = arith.select %gt3A_157, %get3A_152, %select_n3A_138 : vector<8x128xi1>, vector<8x128xf32>
      %select_n3A_159 = arith.select %gt3A_157, %select_n3A_138, %get3A_152 : vector<8x128xi1>, vector<8x128xf32>
      %select_n3A_160 = arith.select %gt3A_157, %add3A_156, %select_n3A_140 : vector<8x128xi1>, vector<8x128xf32>
      %select_n3A_161 = arith.select %gt3A_157, %select_n3A_140, %add3A_156 : vector<8x128xi1>, vector<8x128xf32>
      %gt3A_162 = arith.cmpf ogt, %select_n3A_159, %select_n3A_143 : vector<8x128xf32>
      %select_n3A_163 = arith.select %gt3A_162, %select_n3A_159, %select_n3A_143 : vector<8x128xi1>, vector<8x128xf32>
      %select_n3A_164 = arith.select %gt3A_162, %select_n3A_143, %select_n3A_159 : vector<8x128xi1>, vector<8x128xf32>
      %select_n3A_165 = arith.select %gt3A_162, %select_n3A_161, %select_n3A_145 : vector<8x128xi1>, vector<8x128xf32>
      %select_n3A_166 = arith.select %gt3A_162, %select_n3A_145, %select_n3A_161 : vector<8x128xi1>, vector<8x128xf32>
      %gt3A_167 = arith.cmpf ogt, %select_n3A_164, %select_n3A_148 : vector<8x128xf32>
      %select_n3A_168 = arith.select %gt3A_167, %select_n3A_164, %select_n3A_148 : vector<8x128xi1>, vector<8x128xf32>
      %select_n3A_169 = arith.select %gt3A_167, %select_n3A_166, %select_n3A_149 : vector<8x128xi1>, vector<8x128xf32>
      %get3A_170 = arith.index_cast %mul3A_33 : i32 to index
      %get3A_171 = arith.constant 768 : index
      %get3A_172 = vector.load %arg4[%get3A_170, %get3A_171] : memref<1024x2048xf32, #tpu.memory_space<vmem>>, vector<8x128xf32>
      %add3A_173 = arith.constant 7.680000e+02 : f32
      %add3A_174 = arith.addf %convert_element_type3A_17, %add3A_173 : f32
      %add3A_175 = vector.broadcast %add3A_174 : f32 to vector<8x128xf32>
      %add3A_176 = arith.addf %convert_element_type3A_18, %add3A_175 : vector<8x128xf32>
      %gt3A_177 = arith.cmpf ogt, %get3A_172, %select_n3A_158 : vector<8x128xf32>
      %select_n3A_178 = arith.select %gt3A_177, %get3A_172, %select_n3A_158 : vector<8x128xi1>, vector<8x128xf32>
      %select_n3A_179 = arith.select %gt3A_177, %select_n3A_158, %get3A_172 : vector<8x128xi1>, vector<8x128xf32>
      %select_n3A_180 = arith.select %gt3A_177, %add3A_176, %select_n3A_160 : vector<8x128xi1>, vector<8x128xf32>
      %select_n3A_181 = arith.select %gt3A_177, %select_n3A_160, %add3A_176 : vector<8x128xi1>, vector<8x128xf32>
      %gt3A_182 = arith.cmpf ogt, %select_n3A_179, %select_n3A_163 : vector<8x128xf32>
      %select_n3A_183 = arith.select %gt3A_182, %select_n3A_179, %select_n3A_163 : vector<8x128xi1>, vector<8x128xf32>
      %select_n3A_184 = arith.select %gt3A_182, %select_n3A_163, %select_n3A_179 : vector<8x128xi1>, vector<8x128xf32>
      %select_n3A_185 = arith.select %gt3A_182, %select_n3A_181, %select_n3A_165 : vector<8x128xi1>, vector<8x128xf32>
      %select_n3A_186 = arith.select %gt3A_182, %select_n3A_165, %select_n3A_181 : vector<8x128xi1>, vector<8x128xf32>
      %gt3A_187 = arith.cmpf ogt, %select_n3A_184, %select_n3A_168 : vector<8x128xf32>
      %select_n3A_188 = arith.select %gt3A_187, %select_n3A_184, %select_n3A_168 : vector<8x128xi1>, vector<8x128xf32>
      %select_n3A_189 = arith.select %gt3A_187, %select_n3A_186, %select_n3A_169 : vector<8x128xi1>, vector<8x128xf32>
      %get3A_190 = arith.index_cast %mul3A_33 : i32 to index
      %get3A_191 = arith.constant 896 : index
      %get3A_192 = vector.load %arg4[%get3A_190, %get3A_191] : memref<1024x2048xf32, #tpu.memory_space<vmem>>, vector<8x128xf32>
      %add3A_193 = arith.constant 8.960000e+02 : f32
      %add3A_194 = arith.addf %convert_element_type3A_17, %add3A_193 : f32
      %add3A_195 = vector.broadcast %add3A_194 : f32 to vector<8x128xf32>
      %add3A_196 = arith.addf %convert_element_type3A_18, %add3A_195 : vector<8x128xf32>
      %gt3A_197 = arith.cmpf ogt, %get3A_192, %select_n3A_178 : vector<8x128xf32>
      %select_n3A_198 = arith.select %gt3A_197, %get3A_192, %select_n3A_178 : vector<8x128xi1>, vector<8x128xf32>
      %select_n3A_199 = arith.select %gt3A_197, %select_n3A_178, %get3A_192 : vector<8x128xi1>, vector<8x128xf32>
      %select_n3A_200 = arith.select %gt3A_197, %add3A_196, %select_n3A_180 : vector<8x128xi1>, vector<8x128xf32>
      %select_n3A_201 = arith.select %gt3A_197, %select_n3A_180, %add3A_196 : vector<8x128xi1>, vector<8x128xf32>
      %gt3A_202 = arith.cmpf ogt, %select_n3A_199, %select_n3A_183 : vector<8x128xf32>
      %select_n3A_203 = arith.select %gt3A_202, %select_n3A_199, %select_n3A_183 : vector<8x128xi1>, vector<8x128xf32>
      %select_n3A_204 = arith.select %gt3A_202, %select_n3A_183, %select_n3A_199 : vector<8x128xi1>, vector<8x128xf32>
      %select_n3A_205 = arith.select %gt3A_202, %select_n3A_201, %select_n3A_185 : vector<8x128xi1>, vector<8x128xf32>
      %select_n3A_206 = arith.select %gt3A_202, %select_n3A_185, %select_n3A_201 : vector<8x128xi1>, vector<8x128xf32>
      %gt3A_207 = arith.cmpf ogt, %select_n3A_204, %select_n3A_188 : vector<8x128xf32>
      %select_n3A_208 = arith.select %gt3A_207, %select_n3A_204, %select_n3A_188 : vector<8x128xi1>, vector<8x128xf32>
      %select_n3A_209 = arith.select %gt3A_207, %select_n3A_206, %select_n3A_189 : vector<8x128xi1>, vector<8x128xf32>
      %get3A_210 = arith.index_cast %mul3A_33 : i32 to index
      %get3A_211 = arith.constant 1024 : index
      %get3A_212 = vector.load %arg4[%get3A_210, %get3A_211] : memref<1024x2048xf32, #tpu.memory_space<vmem>>, vector<8x128xf32>
      %add3A_213 = arith.constant 1.024000e+03 : f32
      %add3A_214 = arith.addf %convert_element_type3A_17, %add3A_213 : f32
      %add3A_215 = vector.broadcast %add3A_214 : f32 to vector<8x128xf32>
      %add3A_216 = arith.addf %convert_element_type3A_18, %add3A_215 : vector<8x128xf32>
      %gt3A_217 = arith.cmpf ogt, %get3A_212, %select_n3A_198 : vector<8x128xf32>
      %select_n3A_218 = arith.select %gt3A_217, %get3A_212, %select_n3A_198 : vector<8x128xi1>, vector<8x128xf32>
      %select_n3A_219 = arith.select %gt3A_217, %select_n3A_198, %get3A_212 : vector<8x128xi1>, vector<8x128xf32>
      %select_n3A_220 = arith.select %gt3A_217, %add3A_216, %select_n3A_200 : vector<8x128xi1>, vector<8x128xf32>
      %select_n3A_221 = arith.select %gt3A_217, %select_n3A_200, %add3A_216 : vector<8x128xi1>, vector<8x128xf32>
      %gt3A_222 = arith.cmpf ogt, %select_n3A_219, %select_n3A_203 : vector<8x128xf32>
      %select_n3A_223 = arith.select %gt3A_222, %select_n3A_219, %select_n3A_203 : vector<8x128xi1>, vector<8x128xf32>
      %select_n3A_224 = arith.select %gt3A_222, %select_n3A_203, %select_n3A_219 : vector<8x128xi1>, vector<8x128xf32>
      %select_n3A_225 = arith.select %gt3A_222, %select_n3A_221, %select_n3A_205 : vector<8x128xi1>, vector<8x128xf32>
      %select_n3A_226 = arith.select %gt3A_222, %select_n3A_205, %select_n3A_221 : vector<8x128xi1>, vector<8x128xf32>
      %gt3A_227 = arith.cmpf ogt, %select_n3A_224, %select_n3A_208 : vector<8x128xf32>
      %select_n3A_228 = arith.select %gt3A_227, %select_n3A_224, %select_n3A_208 : vector<8x128xi1>, vector<8x128xf32>
      %select_n3A_229 = arith.select %gt3A_227, %select_n3A_226, %select_n3A_209 : vector<8x128xi1>, vector<8x128xf32>
      %get3A_230 = arith.index_cast %mul3A_33 : i32 to index
      %get3A_231 = arith.constant 1152 : index
      %get3A_232 = vector.load %arg4[%get3A_230, %get3A_231] : memref<1024x2048xf32, #tpu.memory_space<vmem>>, vector<8x128xf32>
      %add3A_233 = arith.constant 1.152000e+03 : f32
      %add3A_234 = arith.addf %convert_element_type3A_17, %add3A_233 : f32
      %add3A_235 = vector.broadcast %add3A_234 : f32 to vector<8x128xf32>
      %add3A_236 = arith.addf %convert_element_type3A_18, %add3A_235 : vector<8x128xf32>
      %gt3A_237 = arith.cmpf ogt, %get3A_232, %select_n3A_218 : vector<8x128xf32>
      %select_n3A_238 = arith.select %gt3A_237, %get3A_232, %select_n3A_218 : vector<8x128xi1>, vector<8x128xf32>
      %select_n3A_239 = arith.select %gt3A_237, %select_n3A_218, %get3A_232 : vector<8x128xi1>, vector<8x128xf32>
      %select_n3A_240 = arith.select %gt3A_237, %add3A_236, %select_n3A_220 : vector<8x128xi1>, vector<8x128xf32>
      %select_n3A_241 = arith.select %gt3A_237, %select_n3A_220, %add3A_236 : vector<8x128xi1>, vector<8x128xf32>
      %gt3A_242 = arith.cmpf ogt, %select_n3A_239, %select_n3A_223 : vector<8x128xf32>
      %select_n3A_243 = arith.select %gt3A_242, %select_n3A_239, %select_n3A_223 : vector<8x128xi1>, vector<8x128xf32>
      %select_n3A_244 = arith.select %gt3A_242, %select_n3A_223, %select_n3A_239 : vector<8x128xi1>, vector<8x128xf32>
      %select_n3A_245 = arith.select %gt3A_242, %select_n3A_241, %select_n3A_225 : vector<8x128xi1>, vector<8x128xf32>
      %select_n3A_246 = arith.select %gt3A_242, %select_n3A_225, %select_n3A_241 : vector<8x128xi1>, vector<8x128xf32>
      %gt3A_247 = arith.cmpf ogt, %select_n3A_244, %select_n3A_228 : vector<8x128xf32>
      %select_n3A_248 = arith.select %gt3A_247, %select_n3A_244, %select_n3A_228 : vector<8x128xi1>, vector<8x128xf32>
      %select_n3A_249 = arith.select %gt3A_247, %select_n3A_246, %select_n3A_229 : vector<8x128xi1>, vector<8x128xf32>
      %get3A_250 = arith.index_cast %mul3A_33 : i32 to index
      %get3A_251 = arith.constant 1280 : index
      %get3A_252 = vector.load %arg4[%get3A_250, %get3A_251] : memref<1024x2048xf32, #tpu.memory_space<vmem>>, vector<8x128xf32>
      %add3A_253 = arith.constant 1.280000e+03 : f32
      %add3A_254 = arith.addf %convert_element_type3A_17, %add3A_253 : f32
      %add3A_255 = vector.broadcast %add3A_254 : f32 to vector<8x128xf32>
      %add3A_256 = arith.addf %convert_element_type3A_18, %add3A_255 : vector<8x128xf32>
      %gt3A_257 = arith.cmpf ogt, %get3A_252, %select_n3A_238 : vector<8x128xf32>
      %select_n3A_258 = arith.select %gt3A_257, %get3A_252, %select_n3A_238 : vector<8x128xi1>, vector<8x128xf32>
      %select_n3A_259 = arith.select %gt3A_257, %select_n3A_238, %get3A_252 : vector<8x128xi1>, vector<8x128xf32>
      %select_n3A_260 = arith.select %gt3A_257, %add3A_256, %select_n3A_240 : vector<8x128xi1>, vector<8x128xf32>
      %select_n3A_261 = arith.select %gt3A_257, %select_n3A_240, %add3A_256 : vector<8x128xi1>, vector<8x128xf32>
      %gt3A_262 = arith.cmpf ogt, %select_n3A_259, %select_n3A_243 : vector<8x128xf32>
      %select_n3A_263 = arith.select %gt3A_262, %select_n3A_259, %select_n3A_243 : vector<8x128xi1>, vector<8x128xf32>
      %select_n3A_264 = arith.select %gt3A_262, %select_n3A_243, %select_n3A_259 : vector<8x128xi1>, vector<8x128xf32>
      %select_n3A_265 = arith.select %gt3A_262, %select_n3A_261, %select_n3A_245 : vector<8x128xi1>, vector<8x128xf32>
      %select_n3A_266 = arith.select %gt3A_262, %select_n3A_245, %select_n3A_261 : vector<8x128xi1>, vector<8x128xf32>
      %gt3A_267 = arith.cmpf ogt, %select_n3A_264, %select_n3A_248 : vector<8x128xf32>
      %select_n3A_268 = arith.select %gt3A_267, %select_n3A_264, %select_n3A_248 : vector<8x128xi1>, vector<8x128xf32>
      %select_n3A_269 = arith.select %gt3A_267, %select_n3A_266, %select_n3A_249 : vector<8x128xi1>, vector<8x128xf32>
      %get3A_270 = arith.index_cast %mul3A_33 : i32 to index
      %get3A_271 = arith.constant 1408 : index
      %get3A_272 = vector.load %arg4[%get3A_270, %get3A_271] : memref<1024x2048xf32, #tpu.memory_space<vmem>>, vector<8x128xf32>
      %add3A_273 = arith.constant 1.408000e+03 : f32
      %add3A_274 = arith.addf %convert_element_type3A_17, %add3A_273 : f32
      %add3A_275 = vector.broadcast %add3A_274 : f32 to vector<8x128xf32>
      %add3A_276 = arith.addf %convert_element_type3A_18, %add3A_275 : vector<8x128xf32>
      %gt3A_277 = arith.cmpf ogt, %get3A_272, %select_n3A_258 : vector<8x128xf32>
      %select_n3A_278 = arith.select %gt3A_277, %get3A_272, %select_n3A_258 : vector<8x128xi1>, vector<8x128xf32>
      %select_n3A_279 = arith.select %gt3A_277, %select_n3A_258, %get3A_272 : vector<8x128xi1>, vector<8x128xf32>
      %select_n3A_280 = arith.select %gt3A_277, %add3A_276, %select_n3A_260 : vector<8x128xi1>, vector<8x128xf32>
      %select_n3A_281 = arith.select %gt3A_277, %select_n3A_260, %add3A_276 : vector<8x128xi1>, vector<8x128xf32>
      %gt3A_282 = arith.cmpf ogt, %select_n3A_279, %select_n3A_263 : vector<8x128xf32>
      %select_n3A_283 = arith.select %gt3A_282, %select_n3A_279, %select_n3A_263 : vector<8x128xi1>, vector<8x128xf32>
      %select_n3A_284 = arith.select %gt3A_282, %select_n3A_263, %select_n3A_279 : vector<8x128xi1>, vector<8x128xf32>
      %select_n3A_285 = arith.select %gt3A_282, %select_n3A_281, %select_n3A_265 : vector<8x128xi1>, vector<8x128xf32>
      %select_n3A_286 = arith.select %gt3A_282, %select_n3A_265, %select_n3A_281 : vector<8x128xi1>, vector<8x128xf32>
      %gt3A_287 = arith.cmpf ogt, %select_n3A_284, %select_n3A_268 : vector<8x128xf32>
      %select_n3A_288 = arith.select %gt3A_287, %select_n3A_284, %select_n3A_268 : vector<8x128xi1>, vector<8x128xf32>
      %select_n3A_289 = arith.select %gt3A_287, %select_n3A_286, %select_n3A_269 : vector<8x128xi1>, vector<8x128xf32>
      %get3A_290 = arith.index_cast %mul3A_33 : i32 to index
      %get3A_291 = arith.constant 1536 : index
      %get3A_292 = vector.load %arg4[%get3A_290, %get3A_291] : memref<1024x2048xf32, #tpu.memory_space<vmem>>, vector<8x128xf32>
      %add3A_293 = arith.constant 1.536000e+03 : f32
      %add3A_294 = arith.addf %convert_element_type3A_17, %add3A_293 : f32
      %add3A_295 = vector.broadcast %add3A_294 : f32 to vector<8x128xf32>
      %add3A_296 = arith.addf %convert_element_type3A_18, %add3A_295 : vector<8x128xf32>
      %gt3A_297 = arith.cmpf ogt, %get3A_292, %select_n3A_278 : vector<8x128xf32>
      %select_n3A_298 = arith.select %gt3A_297, %get3A_292, %select_n3A_278 : vector<8x128xi1>, vector<8x128xf32>
      %select_n3A_299 = arith.select %gt3A_297, %select_n3A_278, %get3A_292 : vector<8x128xi1>, vector<8x128xf32>
      %select_n3A_300 = arith.select %gt3A_297, %add3A_296, %select_n3A_280 : vector<8x128xi1>, vector<8x128xf32>
      %select_n3A_301 = arith.select %gt3A_297, %select_n3A_280, %add3A_296 : vector<8x128xi1>, vector<8x128xf32>
      %gt3A_302 = arith.cmpf ogt, %select_n3A_299, %select_n3A_283 : vector<8x128xf32>
      %select_n3A_303 = arith.select %gt3A_302, %select_n3A_299, %select_n3A_283 : vector<8x128xi1>, vector<8x128xf32>
      %select_n3A_304 = arith.select %gt3A_302, %select_n3A_283, %select_n3A_299 : vector<8x128xi1>, vector<8x128xf32>
      %select_n3A_305 = arith.select %gt3A_302, %select_n3A_301, %select_n3A_285 : vector<8x128xi1>, vector<8x128xf32>
      %select_n3A_306 = arith.select %gt3A_302, %select_n3A_285, %select_n3A_301 : vector<8x128xi1>, vector<8x128xf32>
      %gt3A_307 = arith.cmpf ogt, %select_n3A_304, %select_n3A_288 : vector<8x128xf32>
      %select_n3A_308 = arith.select %gt3A_307, %select_n3A_304, %select_n3A_288 : vector<8x128xi1>, vector<8x128xf32>
      %select_n3A_309 = arith.select %gt3A_307, %select_n3A_306, %select_n3A_289 : vector<8x128xi1>, vector<8x128xf32>
      %get3A_310 = arith.index_cast %mul3A_33 : i32 to index
      %get3A_311 = arith.constant 1664 : index
      %get3A_312 = vector.load %arg4[%get3A_310, %get3A_311] : memref<1024x2048xf32, #tpu.memory_space<vmem>>, vector<8x128xf32>
      %add3A_313 = arith.constant 1.664000e+03 : f32
      %add3A_314 = arith.addf %convert_element_type3A_17, %add3A_313 : f32
      %add3A_315 = vector.broadcast %add3A_314 : f32 to vector<8x128xf32>
      %add3A_316 = arith.addf %convert_element_type3A_18, %add3A_315 : vector<8x128xf32>
      %gt3A_317 = arith.cmpf ogt, %get3A_312, %select_n3A_298 : vector<8x128xf32>
      %select_n3A_318 = arith.select %gt3A_317, %get3A_312, %select_n3A_298 : vector<8x128xi1>, vector<8x128xf32>
      %select_n3A_319 = arith.select %gt3A_317, %select_n3A_298, %get3A_312 : vector<8x128xi1>, vector<8x128xf32>
      %select_n3A_320 = arith.select %gt3A_317, %add3A_316, %select_n3A_300 : vector<8x128xi1>, vector<8x128xf32>
      %select_n3A_321 = arith.select %gt3A_317, %select_n3A_300, %add3A_316 : vector<8x128xi1>, vector<8x128xf32>
      %gt3A_322 = arith.cmpf ogt, %select_n3A_319, %select_n3A_303 : vector<8x128xf32>
      %select_n3A_323 = arith.select %gt3A_322, %select_n3A_319, %select_n3A_303 : vector<8x128xi1>, vector<8x128xf32>
      %select_n3A_324 = arith.select %gt3A_322, %select_n3A_303, %select_n3A_319 : vector<8x128xi1>, vector<8x128xf32>
      %select_n3A_325 = arith.select %gt3A_322, %select_n3A_321, %select_n3A_305 : vector<8x128xi1>, vector<8x128xf32>
      %select_n3A_326 = arith.select %gt3A_322, %select_n3A_305, %select_n3A_321 : vector<8x128xi1>, vector<8x128xf32>
      %gt3A_327 = arith.cmpf ogt, %select_n3A_324, %select_n3A_308 : vector<8x128xf32>
      %select_n3A_328 = arith.select %gt3A_327, %select_n3A_324, %select_n3A_308 : vector<8x128xi1>, vector<8x128xf32>
      %select_n3A_329 = arith.select %gt3A_327, %select_n3A_326, %select_n3A_309 : vector<8x128xi1>, vector<8x128xf32>
      %get3A_330 = arith.index_cast %mul3A_33 : i32 to index
      %get3A_331 = arith.constant 1792 : index
      %get3A_332 = vector.load %arg4[%get3A_330, %get3A_331] : memref<1024x2048xf32, #tpu.memory_space<vmem>>, vector<8x128xf32>
      %add3A_333 = arith.constant 1.792000e+03 : f32
      %add3A_334 = arith.addf %convert_element_type3A_17, %add3A_333 : f32
      %add3A_335 = vector.broadcast %add3A_334 : f32 to vector<8x128xf32>
      %add3A_336 = arith.addf %convert_element_type3A_18, %add3A_335 : vector<8x128xf32>
      %gt3A_337 = arith.cmpf ogt, %get3A_332, %select_n3A_318 : vector<8x128xf32>
      %select_n3A_338 = arith.select %gt3A_337, %get3A_332, %select_n3A_318 : vector<8x128xi1>, vector<8x128xf32>
      %select_n3A_339 = arith.select %gt3A_337, %select_n3A_318, %get3A_332 : vector<8x128xi1>, vector<8x128xf32>
      %select_n3A_340 = arith.select %gt3A_337, %add3A_336, %select_n3A_320 : vector<8x128xi1>, vector<8x128xf32>
      %select_n3A_341 = arith.select %gt3A_337, %select_n3A_320, %add3A_336 : vector<8x128xi1>, vector<8x128xf32>
      %gt3A_342 = arith.cmpf ogt, %select_n3A_339, %select_n3A_323 : vector<8x128xf32>
      %select_n3A_343 = arith.select %gt3A_342, %select_n3A_339, %select_n3A_323 : vector<8x128xi1>, vector<8x128xf32>
      %select_n3A_344 = arith.select %gt3A_342, %select_n3A_323, %select_n3A_339 : vector<8x128xi1>, vector<8x128xf32>
      %select_n3A_345 = arith.select %gt3A_342, %select_n3A_341, %select_n3A_325 : vector<8x128xi1>, vector<8x128xf32>
      %select_n3A_346 = arith.select %gt3A_342, %select_n3A_325, %select_n3A_341 : vector<8x128xi1>, vector<8x128xf32>
      %gt3A_347 = arith.cmpf ogt, %select_n3A_344, %select_n3A_328 : vector<8x128xf32>
      %select_n3A_348 = arith.select %gt3A_347, %select_n3A_344, %select_n3A_328 : vector<8x128xi1>, vector<8x128xf32>
      %select_n3A_349 = arith.select %gt3A_347, %select_n3A_346, %select_n3A_329 : vector<8x128xi1>, vector<8x128xf32>
      %get3A_350 = arith.index_cast %mul3A_33 : i32 to index
      %get3A_351 = arith.constant 1920 : index
      %get3A_352 = vector.load %arg4[%get3A_350, %get3A_351] : memref<1024x2048xf32, #tpu.memory_space<vmem>>, vector<8x128xf32>
      %add3A_353 = arith.constant 1.920000e+03 : f32
      %add3A_354 = arith.addf %convert_element_type3A_17, %add3A_353 : f32
      %add3A_355 = vector.broadcast %add3A_354 : f32 to vector<8x128xf32>
      %add3A_356 = arith.addf %convert_element_type3A_18, %add3A_355 : vector<8x128xf32>
      %gt3A_357 = arith.cmpf ogt, %get3A_352, %select_n3A_338 : vector<8x128xf32>
      %select_n3A_358 = arith.select %gt3A_357, %get3A_352, %select_n3A_338 : vector<8x128xi1>, vector<8x128xf32>
      %select_n3A_359 = arith.select %gt3A_357, %select_n3A_338, %get3A_352 : vector<8x128xi1>, vector<8x128xf32>
      %select_n3A_360 = arith.select %gt3A_357, %add3A_356, %select_n3A_340 : vector<8x128xi1>, vector<8x128xf32>
      %select_n3A_361 = arith.select %gt3A_357, %select_n3A_340, %add3A_356 : vector<8x128xi1>, vector<8x128xf32>
      %gt3A_362 = arith.cmpf ogt, %select_n3A_359, %select_n3A_343 : vector<8x128xf32>
      %select_n3A_363 = arith.select %gt3A_362, %select_n3A_359, %select_n3A_343 : vector<8x128xi1>, vector<8x128xf32>
      %select_n3A_364 = arith.select %gt3A_362, %select_n3A_343, %select_n3A_359 : vector<8x128xi1>, vector<8x128xf32>
      %select_n3A_365 = arith.select %gt3A_362, %select_n3A_361, %select_n3A_345 : vector<8x128xi1>, vector<8x128xf32>
      %select_n3A_366 = arith.select %gt3A_362, %select_n3A_345, %select_n3A_361 : vector<8x128xi1>, vector<8x128xf32>
      %gt3A_367 = arith.cmpf ogt, %select_n3A_364, %select_n3A_348 : vector<8x128xf32>
      %select_n3A_368 = arith.select %gt3A_367, %select_n3A_364, %select_n3A_348 : vector<8x128xi1>, vector<8x128xf32>
      %select_n3A_369 = arith.select %gt3A_367, %select_n3A_366, %select_n3A_349 : vector<8x128xi1>, vector<8x128xf32>
      %swap3A_370 = arith.index_cast %mul3A_33 : i32 to index
      %swap3A_371 = arith.constant 0 : index
      %swap3A_372 = vector.load %arg5[%swap3A_370, %swap3A_371] : memref<1024x128xf32, #tpu.memory_space<vmem>>, vector<8x128xf32>
      tpu.vector_store %arg5[%swap3A_370, %swap3A_371], %select_n3A_358 {strides = array<i32>} : memref<1024x128xf32, #tpu.memory_space<vmem>>, vector<8x128xf32>,
      %swap3A_373 = arith.index_cast %mul3A_33 : i32 to index
      %swap3A_374 = arith.constant 0 : index
      %swap3A_375 = vector.load %arg6[%swap3A_373, %swap3A_374] : memref<1024x128xf32, #tpu.memory_space<vmem>>, vector<8x128xf32>
      tpu.vector_store %arg6[%swap3A_373, %swap3A_374], %select_n3A_363 {strides = array<i32>} : memref<1024x128xf32, #tpu.memory_space<vmem>>, vector<8x128xf32>,
      %swap3A_376 = arith.index_cast %mul3A_33 : i32 to index
      %swap3A_377 = arith.constant 0 : index
      %swap3A_378 = vector.load %arg7[%swap3A_376, %swap3A_377] : memref<1024x128xf32, #tpu.memory_space<vmem>>, vector<8x128xf32>
      tpu.vector_store %arg7[%swap3A_376, %swap3A_377], %select_n3A_368 {strides = array<i32>} : memref<1024x128xf32, #tpu.memory_space<vmem>>, vector<8x128xf32>,
      %swap3A_379 = arith.index_cast %mul3A_33 : i32 to index
      %swap3A_380 = arith.constant 0 : index
      %swap3A_381 = vector.load %arg8[%swap3A_379, %swap3A_380] : memref<1024x128xf32, #tpu.memory_space<vmem>>, vector<8x128xf32>
      tpu.vector_store %arg8[%swap3A_379, %swap3A_380], %select_n3A_360 {strides = array<i32>} : memref<1024x128xf32, #tpu.memory_space<vmem>>, vector<8x128xf32>,
      %swap3A_382 = arith.index_cast %mul3A_33 : i32 to index
      %swap3A_383 = arith.constant 0 : index
      %swap3A_384 = vector.load %arg9[%swap3A_382, %swap3A_383] : memref<1024x128xf32, #tpu.memory_space<vmem>>, vector<8x128xf32>
      tpu.vector_store %arg9[%swap3A_382, %swap3A_383], %select_n3A_365 {strides = array<i32>} : memref<1024x128xf32, #tpu.memory_space<vmem>>, vector<8x128xf32>,
      %swap3A_385 = arith.index_cast %mul3A_33 : i32 to index
      %swap3A_386 = arith.constant 0 : index
      %swap3A_387 = vector.load %arg10[%swap3A_385, %swap3A_386] : memref<1024x128xf32, #tpu.memory_space<vmem>>, vector<8x128xf32>
      tpu.vector_store %arg10[%swap3A_385, %swap3A_386], %select_n3A_369 {strides = array<i32>} : memref<1024x128xf32, #tpu.memory_space<vmem>>, vector<8x128xf32>,
      %mul3A_388 = arith.constant 2 : i32
      %mul3A_389 = arith.muli %scan3A_28, %mul3A_388 : i32
      %add3A_390 = arith.constant 1 : i32
      %add3A_391 = arith.addi %mul3A_389, %add3A_390 : i32
      %mul3A_392 = arith.constant 8 : i32
      %mul3A_393 = arith.muli %add3A_391, %mul3A_392 : i32
      %get3A_394 = arith.index_cast %mul3A_393 : i32 to index
      %get3A_395 = arith.constant 0 : index
      %get3A_396 = vector.load %arg5[%get3A_394, %get3A_395] : memref<1024x128xf32, #tpu.memory_space<vmem>>, vector<8x128xf32>
      %get3A_397 = arith.index_cast %mul3A_393 : i32 to index
      %get3A_398 = arith.constant 0 : index
      %get3A_399 = vector.load %arg6[%get3A_397, %get3A_398] : memref<1024x128xf32, #tpu.memory_space<vmem>>, vector<8x128xf32>
      %get3A_400 = arith.index_cast %mul3A_393 : i32 to index
      %get3A_401 = arith.constant 0 : index
      %get3A_402 = vector.load %arg7[%get3A_400, %get3A_401] : memref<1024x128xf32, #tpu.memory_space<vmem>>, vector<8x128xf32>
      %get3A_403 = arith.index_cast %mul3A_393 : i32 to index
      %get3A_404 = arith.constant 0 : index
      %get3A_405 = vector.load %arg8[%get3A_403, %get3A_404] : memref<1024x128xf32, #tpu.memory_space<vmem>>, vector<8x128xf32>
      %get3A_406 = arith.index_cast %mul3A_393 : i32 to index
      %get3A_407 = arith.constant 0 : index
      %get3A_408 = vector.load %arg9[%get3A_406, %get3A_407] : memref<1024x128xf32, #tpu.memory_space<vmem>>, vector<8x128xf32>
      %get3A_409 = arith.index_cast %mul3A_393 : i32 to index
      %get3A_410 = arith.constant 0 : index
      %get3A_411 = vector.load %arg10[%get3A_409, %get3A_410] : memref<1024x128xf32, #tpu.memory_space<vmem>>, vector<8x128xf32>
      %get3A_412 = arith.index_cast %mul3A_393 : i32 to index
      %get3A_413 = arith.constant 0 : index
      %get3A_414 = vector.load %arg4[%get3A_412, %get3A_413] : memref<1024x2048xf32, #tpu.memory_space<vmem>>, vector<8x128xf32>
      %add3A_415 = arith.constant 0.000000e+00 : f32
      %add3A_416 = arith.addf %convert_element_type3A_17, %add3A_415 : f32
      %add3A_417 = vector.broadcast %add3A_416 : f32 to vector<8x128xf32>
      %add3A_418 = arith.addf %convert_element_type3A_18, %add3A_417 : vector<8x128xf32>
      %gt3A_419 = arith.cmpf ogt, %get3A_414, %get3A_396 : vector<8x128xf32>
      %select_n3A_420 = arith.select %gt3A_419, %get3A_414, %get3A_396 : vector<8x128xi1>, vector<8x128xf32>
      %select_n3A_421 = arith.select %gt3A_419, %get3A_396, %get3A_414 : vector<8x128xi1>, vector<8x128xf32>
      %select_n3A_422 = arith.select %gt3A_419, %add3A_418, %get3A_405 : vector<8x128xi1>, vector<8x128xf32>
      %select_n3A_423 = arith.select %gt3A_419, %get3A_405, %add3A_418 : vector<8x128xi1>, vector<8x128xf32>
      %gt3A_424 = arith.cmpf ogt, %select_n3A_421, %get3A_399 : vector<8x128xf32>
      %select_n3A_425 = arith.select %gt3A_424, %select_n3A_421, %get3A_399 : vector<8x128xi1>, vector<8x128xf32>
      %select_n3A_426 = arith.select %gt3A_424, %get3A_399, %select_n3A_421 : vector<8x128xi1>, vector<8x128xf32>
      %select_n3A_427 = arith.select %gt3A_424, %select_n3A_423, %get3A_408 : vector<8x128xi1>, vector<8x128xf32>
      %select_n3A_428 = arith.select %gt3A_424, %get3A_408, %select_n3A_423 : vector<8x128xi1>, vector<8x128xf32>
      %gt3A_429 = arith.cmpf ogt, %select_n3A_426, %get3A_402 : vector<8x128xf32>
      %select_n3A_430 = arith.select %gt3A_429, %select_n3A_426, %get3A_402 : vector<8x128xi1>, vector<8x128xf32>
      %select_n3A_431 = arith.select %gt3A_429, %select_n3A_428, %get3A_411 : vector<8x128xi1>, vector<8x128xf32>
      %get3A_432 = arith.index_cast %mul3A_393 : i32 to index
      %get3A_433 = arith.constant 128 : index
      %get3A_434 = vector.load %arg4[%get3A_432, %get3A_433] : memref<1024x2048xf32, #tpu.memory_space<vmem>>, vector<8x128xf32>
      %add3A_435 = arith.constant 1.280000e+02 : f32
      %add3A_436 = arith.addf %convert_element_type3A_17, %add3A_435 : f32
      %add3A_437 = vector.broadcast %add3A_436 : f32 to vector<8x128xf32>
      %add3A_438 = arith.addf %convert_element_type3A_18, %add3A_437 : vector<8x128xf32>
      %gt3A_439 = arith.cmpf ogt, %get3A_434, %select_n3A_420 : vector<8x128xf32>
      %select_n3A_440 = arith.select %gt3A_439, %get3A_434, %select_n3A_420 : vector<8x128xi1>, vector<8x128xf32>
      %select_n3A_441 = arith.select %gt3A_439, %select_n3A_420, %get3A_434 : vector<8x128xi1>, vector<8x128xf32>
      %select_n3A_442 = arith.select %gt3A_439, %add3A_438, %select_n3A_422 : vector<8x128xi1>, vector<8x128xf32>
      %select_n3A_443 = arith.select %gt3A_439, %select_n3A_422, %add3A_438 : vector<8x128xi1>, vector<8x128xf32>
      %gt3A_444 = arith.cmpf ogt, %select_n3A_441, %select_n3A_425 : vector<8x128xf32>
      %select_n3A_445 = arith.select %gt3A_444, %select_n3A_441, %select_n3A_425 : vector<8x128xi1>, vector<8x128xf32>
      %select_n3A_446 = arith.select %gt3A_444, %select_n3A_425, %select_n3A_441 : vector<8x128xi1>, vector<8x128xf32>
      %select_n3A_447 = arith.select %gt3A_444, %select_n3A_443, %select_n3A_427 : vector<8x128xi1>, vector<8x128xf32>
      %select_n3A_448 = arith.select %gt3A_444, %select_n3A_427, %select_n3A_443 : vector<8x128xi1>, vector<8x128xf32>
      %gt3A_449 = arith.cmpf ogt, %select_n3A_446, %select_n3A_430 : vector<8x128xf32>
      %select_n3A_450 = arith.select %gt3A_449, %select_n3A_446, %select_n3A_430 : vector<8x128xi1>, vector<8x128xf32>
      %select_n3A_451 = arith.select %gt3A_449, %select_n3A_448, %select_n3A_431 : vector<8x128xi1>, vector<8x128xf32>
      %get3A_452 = arith.index_cast %mul3A_393 : i32 to index
      %get3A_453 = arith.constant 256 : index
      %get3A_454 = vector.load %arg4[%get3A_452, %get3A_453] : memref<1024x2048xf32, #tpu.memory_space<vmem>>, vector<8x128xf32>
      %add3A_455 = arith.constant 2.560000e+02 : f32
      %add3A_456 = arith.addf %convert_element_type3A_17, %add3A_455 : f32
      %add3A_457 = vector.broadcast %add3A_456 : f32 to vector<8x128xf32>
      %add3A_458 = arith.addf %convert_element_type3A_18, %add3A_457 : vector<8x128xf32>
      %gt3A_459 = arith.cmpf ogt, %get3A_454, %select_n3A_440 : vector<8x128xf32>
      %select_n3A_460 = arith.select %gt3A_459, %get3A_454, %select_n3A_440 : vector<8x128xi1>, vector<8x128xf32>
      %select_n3A_461 = arith.select %gt3A_459, %select_n3A_440, %get3A_454 : vector<8x128xi1>, vector<8x128xf32>
      %select_n3A_462 = arith.select %gt3A_459, %add3A_458, %select_n3A_442 : vector<8x128xi1>, vector<8x128xf32>
      %select_n3A_463 = arith.select %gt3A_459, %select_n3A_442, %add3A_458 : vector<8x128xi1>, vector<8x128xf32>
      %gt3A_464 = arith.cmpf ogt, %select_n3A_461, %select_n3A_445 : vector<8x128xf32>
      %select_n3A_465 = arith.select %gt3A_464, %select_n3A_461, %select_n3A_445 : vector<8x128xi1>, vector<8x128xf32>
      %select_n3A_466 = arith.select %gt3A_464, %select_n3A_445, %select_n3A_461 : vector<8x128xi1>, vector<8x128xf32>
      %select_n3A_467 = arith.select %gt3A_464, %select_n3A_463, %select_n3A_447 : vector<8x128xi1>, vector<8x128xf32>
      %select_n3A_468 = arith.select %gt3A_464, %select_n3A_447, %select_n3A_463 : vector<8x128xi1>, vector<8x128xf32>
      %gt3A_469 = arith.cmpf ogt, %select_n3A_466, %select_n3A_450 : vector<8x128xf32>
      %select_n3A_470 = arith.select %gt3A_469, %select_n3A_466, %select_n3A_450 : vector<8x128xi1>, vector<8x128xf32>
      %select_n3A_471 = arith.select %gt3A_469, %select_n3A_468, %select_n3A_451 : vector<8x128xi1>, vector<8x128xf32>
      %get3A_472 = arith.index_cast %mul3A_393 : i32 to index
      %get3A_473 = arith.constant 384 : index
      %get3A_474 = vector.load %arg4[%get3A_472, %get3A_473] : memref<1024x2048xf32, #tpu.memory_space<vmem>>, vector<8x128xf32>
      %add3A_475 = arith.constant 3.840000e+02 : f32
      %add3A_476 = arith.addf %convert_element_type3A_17, %add3A_475 : f32
      %add3A_477 = vector.broadcast %add3A_476 : f32 to vector<8x128xf32>
      %add3A_478 = arith.addf %convert_element_type3A_18, %add3A_477 : vector<8x128xf32>
      %gt3A_479 = arith.cmpf ogt, %get3A_474, %select_n3A_460 : vector<8x128xf32>
      %select_n3A_480 = arith.select %gt3A_479, %get3A_474, %select_n3A_460 : vector<8x128xi1>, vector<8x128xf32>
      %select_n3A_481 = arith.select %gt3A_479, %select_n3A_460, %get3A_474 : vector<8x128xi1>, vector<8x128xf32>
      %select_n3A_482 = arith.select %gt3A_479, %add3A_478, %select_n3A_462 : vector<8x128xi1>, vector<8x128xf32>
      %select_n3A_483 = arith.select %gt3A_479, %select_n3A_462, %add3A_478 : vector<8x128xi1>, vector<8x128xf32>
      %gt3A_484 = arith.cmpf ogt, %select_n3A_481, %select_n3A_465 : vector<8x128xf32>
      %select_n3A_485 = arith.select %gt3A_484, %select_n3A_481, %select_n3A_465 : vector<8x128xi1>, vector<8x128xf32>
      %select_n3A_486 = arith.select %gt3A_484, %select_n3A_465, %select_n3A_481 : vector<8x128xi1>, vector<8x128xf32>
      %select_n3A_487 = arith.select %gt3A_484, %select_n3A_483, %select_n3A_467 : vector<8x128xi1>, vector<8x128xf32>
      %select_n3A_488 = arith.select %gt3A_484, %select_n3A_467, %select_n3A_483 : vector<8x128xi1>, vector<8x128xf32>
      %gt3A_489 = arith.cmpf ogt, %select_n3A_486, %select_n3A_470 : vector<8x128xf32>
      %select_n3A_490 = arith.select %gt3A_489, %select_n3A_486, %select_n3A_470 : vector<8x128xi1>, vector<8x128xf32>
      %select_n3A_491 = arith.select %gt3A_489, %select_n3A_488, %select_n3A_471 : vector<8x128xi1>, vector<8x128xf32>
      %get3A_492 = arith.index_cast %mul3A_393 : i32 to index
      %get3A_493 = arith.constant 512 : index
      %get3A_494 = vector.load %arg4[%get3A_492, %get3A_493] : memref<1024x2048xf32, #tpu.memory_space<vmem>>, vector<8x128xf32>
      %add3A_495 = arith.constant 5.120000e+02 : f32
      %add3A_496 = arith.addf %convert_element_type3A_17, %add3A_495 : f32
      %add3A_497 = vector.broadcast %add3A_496 : f32 to vector<8x128xf32>
      %add3A_498 = arith.addf %convert_element_type3A_18, %add3A_497 : vector<8x128xf32>
      %gt3A_499 = arith.cmpf ogt, %get3A_494, %select_n3A_480 : vector<8x128xf32>
      %select_n3A_500 = arith.select %gt3A_499, %get3A_494, %select_n3A_480 : vector<8x128xi1>, vector<8x128xf32>
      %select_n3A_501 = arith.select %gt3A_499, %select_n3A_480, %get3A_494 : vector<8x128xi1>, vector<8x128xf32>
      %select_n3A_502 = arith.select %gt3A_499, %add3A_498, %select_n3A_482 : vector<8x128xi1>, vector<8x128xf32>
      %select_n3A_503 = arith.select %gt3A_499, %select_n3A_482, %add3A_498 : vector<8x128xi1>, vector<8x128xf32>
      %gt3A_504 = arith.cmpf ogt, %select_n3A_501, %select_n3A_485 : vector<8x128xf32>
      %select_n3A_505 = arith.select %gt3A_504, %select_n3A_501, %select_n3A_485 : vector<8x128xi1>, vector<8x128xf32>
      %select_n3A_506 = arith.select %gt3A_504, %select_n3A_485, %select_n3A_501 : vector<8x128xi1>, vector<8x128xf32>
      %select_n3A_507 = arith.select %gt3A_504, %select_n3A_503, %select_n3A_487 : vector<8x128xi1>, vector<8x128xf32>
      %select_n3A_508 = arith.select %gt3A_504, %select_n3A_487, %select_n3A_503 : vector<8x128xi1>, vector<8x128xf32>
      %gt3A_509 = arith.cmpf ogt, %select_n3A_506, %select_n3A_490 : vector<8x128xf32>
      %select_n3A_510 = arith.select %gt3A_509, %select_n3A_506, %select_n3A_490 : vector<8x128xi1>, vector<8x128xf32>
      %select_n3A_511 = arith.select %gt3A_509, %select_n3A_508, %select_n3A_491 : vector<8x128xi1>, vector<8x128xf32>
      %get3A_512 = arith.index_cast %mul3A_393 : i32 to index
      %get3A_513 = arith.constant 640 : index
      %get3A_514 = vector.load %arg4[%get3A_512, %get3A_513] : memref<1024x2048xf32, #tpu.memory_space<vmem>>, vector<8x128xf32>
      %add3A_515 = arith.constant 6.400000e+02 : f32
      %add3A_516 = arith.addf %convert_element_type3A_17, %add3A_515 : f32
      %add3A_517 = vector.broadcast %add3A_516 : f32 to vector<8x128xf32>
      %add3A_518 = arith.addf %convert_element_type3A_18, %add3A_517 : vector<8x128xf32>
      %gt3A_519 = arith.cmpf ogt, %get3A_514, %select_n3A_500 : vector<8x128xf32>
      %select_n3A_520 = arith.select %gt3A_519, %get3A_514, %select_n3A_500 : vector<8x128xi1>, vector<8x128xf32>
      %select_n3A_521 = arith.select %gt3A_519, %select_n3A_500, %get3A_514 : vector<8x128xi1>, vector<8x128xf32>
      %select_n3A_522 = arith.select %gt3A_519, %add3A_518, %select_n3A_502 : vector<8x128xi1>, vector<8x128xf32>
      %select_n3A_523 = arith.select %gt3A_519, %select_n3A_502, %add3A_518 : vector<8x128xi1>, vector<8x128xf32>
      %gt3A_524 = arith.cmpf ogt, %select_n3A_521, %select_n3A_505 : vector<8x128xf32>
      %select_n3A_525 = arith.select %gt3A_524, %select_n3A_521, %select_n3A_505 : vector<8x128xi1>, vector<8x128xf32>
      %select_n3A_526 = arith.select %gt3A_524, %select_n3A_505, %select_n3A_521 : vector<8x128xi1>, vector<8x128xf32>
      %select_n3A_527 = arith.select %gt3A_524, %select_n3A_523, %select_n3A_507 : vector<8x128xi1>, vector<8x128xf32>
      %select_n3A_528 = arith.select %gt3A_524, %select_n3A_507, %select_n3A_523 : vector<8x128xi1>, vector<8x128xf32>
      %gt3A_529 = arith.cmpf ogt, %select_n3A_526, %select_n3A_510 : vector<8x128xf32>
      %select_n3A_530 = arith.select %gt3A_529, %select_n3A_526, %select_n3A_510 : vector<8x128xi1>, vector<8x128xf32>
      %select_n3A_531 = arith.select %gt3A_529, %select_n3A_528, %select_n3A_511 : vector<8x128xi1>, vector<8x128xf32>
      %get3A_532 = arith.index_cast %mul3A_393 : i32 to index
      %get3A_533 = arith.constant 768 : index
      %get3A_534 = vector.load %arg4[%get3A_532, %get3A_533] : memref<1024x2048xf32, #tpu.memory_space<vmem>>, vector<8x128xf32>
      %add3A_535 = arith.constant 7.680000e+02 : f32
      %add3A_536 = arith.addf %convert_element_type3A_17, %add3A_535 : f32
      %add3A_537 = vector.broadcast %add3A_536 : f32 to vector<8x128xf32>
      %add3A_538 = arith.addf %convert_element_type3A_18, %add3A_537 : vector<8x128xf32>
      %gt3A_539 = arith.cmpf ogt, %get3A_534, %select_n3A_520 : vector<8x128xf32>
      %select_n3A_540 = arith.select %gt3A_539, %get3A_534, %select_n3A_520 : vector<8x128xi1>, vector<8x128xf32>
      %select_n3A_541 = arith.select %gt3A_539, %select_n3A_520, %get3A_534 : vector<8x128xi1>, vector<8x128xf32>
      %select_n3A_542 = arith.select %gt3A_539, %add3A_538, %select_n3A_522 : vector<8x128xi1>, vector<8x128xf32>
      %select_n3A_543 = arith.select %gt3A_539, %select_n3A_522, %add3A_538 : vector<8x128xi1>, vector<8x128xf32>
      %gt3A_544 = arith.cmpf ogt, %select_n3A_541, %select_n3A_525 : vector<8x128xf32>
      %select_n3A_545 = arith.select %gt3A_544, %select_n3A_541, %select_n3A_525 : vector<8x128xi1>, vector<8x128xf32>
      %select_n3A_546 = arith.select %gt3A_544, %select_n3A_525, %select_n3A_541 : vector<8x128xi1>, vector<8x128xf32>
      %select_n3A_547 = arith.select %gt3A_544, %select_n3A_543, %select_n3A_527 : vector<8x128xi1>, vector<8x128xf32>
      %select_n3A_548 = arith.select %gt3A_544, %select_n3A_527, %select_n3A_543 : vector<8x128xi1>, vector<8x128xf32>
      %gt3A_549 = arith.cmpf ogt, %select_n3A_546, %select_n3A_530 : vector<8x128xf32>
      %select_n3A_550 = arith.select %gt3A_549, %select_n3A_546, %select_n3A_530 : vector<8x128xi1>, vector<8x128xf32>
      %select_n3A_551 = arith.select %gt3A_549, %select_n3A_548, %select_n3A_531 : vector<8x128xi1>, vector<8x128xf32>
      %get3A_552 = arith.index_cast %mul3A_393 : i32 to index
      %get3A_553 = arith.constant 896 : index
      %get3A_554 = vector.load %arg4[%get3A_552, %get3A_553] : memref<1024x2048xf32, #tpu.memory_space<vmem>>, vector<8x128xf32>
      %add3A_555 = arith.constant 8.960000e+02 : f32
      %add3A_556 = arith.addf %convert_element_type3A_17, %add3A_555 : f32
      %add3A_557 = vector.broadcast %add3A_556 : f32 to vector<8x128xf32>
      %add3A_558 = arith.addf %convert_element_type3A_18, %add3A_557 : vector<8x128xf32>
      %gt3A_559 = arith.cmpf ogt, %get3A_554, %select_n3A_540 : vector<8x128xf32>
      %select_n3A_560 = arith.select %gt3A_559, %get3A_554, %select_n3A_540 : vector<8x128xi1>, vector<8x128xf32>
      %select_n3A_561 = arith.select %gt3A_559, %select_n3A_540, %get3A_554 : vector<8x128xi1>, vector<8x128xf32>
      %select_n3A_562 = arith.select %gt3A_559, %add3A_558, %select_n3A_542 : vector<8x128xi1>, vector<8x128xf32>
      %select_n3A_563 = arith.select %gt3A_559, %select_n3A_542, %add3A_558 : vector<8x128xi1>, vector<8x128xf32>
      %gt3A_564 = arith.cmpf ogt, %select_n3A_561, %select_n3A_545 : vector<8x128xf32>
      %select_n3A_565 = arith.select %gt3A_564, %select_n3A_561, %select_n3A_545 : vector<8x128xi1>, vector<8x128xf32>
      %select_n3A_566 = arith.select %gt3A_564, %select_n3A_545, %select_n3A_561 : vector<8x128xi1>, vector<8x128xf32>
      %select_n3A_567 = arith.select %gt3A_564, %select_n3A_563, %select_n3A_547 : vector<8x128xi1>, vector<8x128xf32>
      %select_n3A_568 = arith.select %gt3A_564, %select_n3A_547, %select_n3A_563 : vector<8x128xi1>, vector<8x128xf32>
      %gt3A_569 = arith.cmpf ogt, %select_n3A_566, %select_n3A_550 : vector<8x128xf32>
      %select_n3A_570 = arith.select %gt3A_569, %select_n3A_566, %select_n3A_550 : vector<8x128xi1>, vector<8x128xf32>
      %select_n3A_571 = arith.select %gt3A_569, %select_n3A_568, %select_n3A_551 : vector<8x128xi1>, vector<8x128xf32>
      %get3A_572 = arith.index_cast %mul3A_393 : i32 to index
      %get3A_573 = arith.constant 1024 : index
      %get3A_574 = vector.load %arg4[%get3A_572, %get3A_573] : memref<1024x2048xf32, #tpu.memory_space<vmem>>, vector<8x128xf32>
      %add3A_575 = arith.constant 1.024000e+03 : f32
      %add3A_576 = arith.addf %convert_element_type3A_17, %add3A_575 : f32
      %add3A_577 = vector.broadcast %add3A_576 : f32 to vector<8x128xf32>
      %add3A_578 = arith.addf %convert_element_type3A_18, %add3A_577 : vector<8x128xf32>
      %gt3A_579 = arith.cmpf ogt, %get3A_574, %select_n3A_560 : vector<8x128xf32>
      %select_n3A_580 = arith.select %gt3A_579, %get3A_574, %select_n3A_560 : vector<8x128xi1>, vector<8x128xf32>
      %select_n3A_581 = arith.select %gt3A_579, %select_n3A_560, %get3A_574 : vector<8x128xi1>, vector<8x128xf32>
      %select_n3A_582 = arith.select %gt3A_579, %add3A_578, %select_n3A_562 : vector<8x128xi1>, vector<8x128xf32>
      %select_n3A_583 = arith.select %gt3A_579, %select_n3A_562, %add3A_578 : vector<8x128xi1>, vector<8x128xf32>
      %gt3A_584 = arith.cmpf ogt, %select_n3A_581, %select_n3A_565 : vector<8x128xf32>
      %select_n3A_585 = arith.select %gt3A_584, %select_n3A_581, %select_n3A_565 : vector<8x128xi1>, vector<8x128xf32>
      %select_n3A_586 = arith.select %gt3A_584, %select_n3A_565, %select_n3A_581 : vector<8x128xi1>, vector<8x128xf32>
      %select_n3A_587 = arith.select %gt3A_584, %select_n3A_583, %select_n3A_567 : vector<8x128xi1>, vector<8x128xf32>
      %select_n3A_588 = arith.select %gt3A_584, %select_n3A_567, %select_n3A_583 : vector<8x128xi1>, vector<8x128xf32>
      %gt3A_589 = arith.cmpf ogt, %select_n3A_586, %select_n3A_570 : vector<8x128xf32>
      %select_n3A_590 = arith.select %gt3A_589, %select_n3A_586, %select_n3A_570 : vector<8x128xi1>, vector<8x128xf32>
      %select_n3A_591 = arith.select %gt3A_589, %select_n3A_588, %select_n3A_571 : vector<8x128xi1>, vector<8x128xf32>
      %get3A_592 = arith.index_cast %mul3A_393 : i32 to index
      %get3A_593 = arith.constant 1152 : index
      %get3A_594 = vector.load %arg4[%get3A_592, %get3A_593] : memref<1024x2048xf32, #tpu.memory_space<vmem>>, vector<8x128xf32>
      %add3A_595 = arith.constant 1.152000e+03 : f32
      %add3A_596 = arith.addf %convert_element_type3A_17, %add3A_595 : f32
      %add3A_597 = vector.broadcast %add3A_596 : f32 to vector<8x128xf32>
      %add3A_598 = arith.addf %convert_element_type3A_18, %add3A_597 : vector<8x128xf32>
      %gt3A_599 = arith.cmpf ogt, %get3A_594, %select_n3A_580 : vector<8x128xf32>
      %select_n3A_600 = arith.select %gt3A_599, %get3A_594, %select_n3A_580 : vector<8x128xi1>, vector<8x128xf32>
      %select_n3A_601 = arith.select %gt3A_599, %select_n3A_580, %get3A_594 : vector<8x128xi1>, vector<8x128xf32>
      %select_n3A_602 = arith.select %gt3A_599, %add3A_598, %select_n3A_582 : vector<8x128xi1>, vector<8x128xf32>
      %select_n3A_603 = arith.select %gt3A_599, %select_n3A_582, %add3A_598 : vector<8x128xi1>, vector<8x128xf32>
      %gt3A_604 = arith.cmpf ogt, %select_n3A_601, %select_n3A_585 : vector<8x128xf32>
      %select_n3A_605 = arith.select %gt3A_604, %select_n3A_601, %select_n3A_585 : vector<8x128xi1>, vector<8x128xf32>
      %select_n3A_606 = arith.select %gt3A_604, %select_n3A_585, %select_n3A_601 : vector<8x128xi1>, vector<8x128xf32>
      %select_n3A_607 = arith.select %gt3A_604, %select_n3A_603, %select_n3A_587 : vector<8x128xi1>, vector<8x128xf32>
      %select_n3A_608 = arith.select %gt3A_604, %select_n3A_587, %select_n3A_603 : vector<8x128xi1>, vector<8x128xf32>
      %gt3A_609 = arith.cmpf ogt, %select_n3A_606, %select_n3A_590 : vector<8x128xf32>
      %select_n3A_610 = arith.select %gt3A_609, %select_n3A_606, %select_n3A_590 : vector<8x128xi1>, vector<8x128xf32>
      %select_n3A_611 = arith.select %gt3A_609, %select_n3A_608, %select_n3A_591 : vector<8x128xi1>, vector<8x128xf32>
      %get3A_612 = arith.index_cast %mul3A_393 : i32 to index
      %get3A_613 = arith.constant 1280 : index
      %get3A_614 = vector.load %arg4[%get3A_612, %get3A_613] : memref<1024x2048xf32, #tpu.memory_space<vmem>>, vector<8x128xf32>
      %add3A_615 = arith.constant 1.280000e+03 : f32
      %add3A_616 = arith.addf %convert_element_type3A_17, %add3A_615 : f32
      %add3A_617 = vector.broadcast %add3A_616 : f32 to vector<8x128xf32>
      %add3A_618 = arith.addf %convert_element_type3A_18, %add3A_617 : vector<8x128xf32>
      %gt3A_619 = arith.cmpf ogt, %get3A_614, %select_n3A_600 : vector<8x128xf32>
      %select_n3A_620 = arith.select %gt3A_619, %get3A_614, %select_n3A_600 : vector<8x128xi1>, vector<8x128xf32>
      %select_n3A_621 = arith.select %gt3A_619, %select_n3A_600, %get3A_614 : vector<8x128xi1>, vector<8x128xf32>
      %select_n3A_622 = arith.select %gt3A_619, %add3A_618, %select_n3A_602 : vector<8x128xi1>, vector<8x128xf32>
      %select_n3A_623 = arith.select %gt3A_619, %select_n3A_602, %add3A_618 : vector<8x128xi1>, vector<8x128xf32>
      %gt3A_624 = arith.cmpf ogt, %select_n3A_621, %select_n3A_605 : vector<8x128xf32>
      %select_n3A_625 = arith.select %gt3A_624, %select_n3A_621, %select_n3A_605 : vector<8x128xi1>, vector<8x128xf32>
      %select_n3A_626 = arith.select %gt3A_624, %select_n3A_605, %select_n3A_621 : vector<8x128xi1>, vector<8x128xf32>
      %select_n3A_627 = arith.select %gt3A_624, %select_n3A_623, %select_n3A_607 : vector<8x128xi1>, vector<8x128xf32>
      %select_n3A_628 = arith.select %gt3A_624, %select_n3A_607, %select_n3A_623 : vector<8x128xi1>, vector<8x128xf32>
      %gt3A_629 = arith.cmpf ogt, %select_n3A_626, %select_n3A_610 : vector<8x128xf32>
      %select_n3A_630 = arith.select %gt3A_629, %select_n3A_626, %select_n3A_610 : vector<8x128xi1>, vector<8x128xf32>
      %select_n3A_631 = arith.select %gt3A_629, %select_n3A_628, %select_n3A_611 : vector<8x128xi1>, vector<8x128xf32>
      %get3A_632 = arith.index_cast %mul3A_393 : i32 to index
      %get3A_633 = arith.constant 1408 : index
      %get3A_634 = vector.load %arg4[%get3A_632, %get3A_633] : memref<1024x2048xf32, #tpu.memory_space<vmem>>, vector<8x128xf32>
      %add3A_635 = arith.constant 1.408000e+03 : f32
      %add3A_636 = arith.addf %convert_element_type3A_17, %add3A_635 : f32
      %add3A_637 = vector.broadcast %add3A_636 : f32 to vector<8x128xf32>
      %add3A_638 = arith.addf %convert_element_type3A_18, %add3A_637 : vector<8x128xf32>
      %gt3A_639 = arith.cmpf ogt, %get3A_634, %select_n3A_620 : vector<8x128xf32>
      %select_n3A_640 = arith.select %gt3A_639, %get3A_634, %select_n3A_620 : vector<8x128xi1>, vector<8x128xf32>
      %select_n3A_641 = arith.select %gt3A_639, %select_n3A_620, %get3A_634 : vector<8x128xi1>, vector<8x128xf32>
      %select_n3A_642 = arith.select %gt3A_639, %add3A_638, %select_n3A_622 : vector<8x128xi1>, vector<8x128xf32>
      %select_n3A_643 = arith.select %gt3A_639, %select_n3A_622, %add3A_638 : vector<8x128xi1>, vector<8x128xf32>
      %gt3A_644 = arith.cmpf ogt, %select_n3A_641, %select_n3A_625 : vector<8x128xf32>
      %select_n3A_645 = arith.select %gt3A_644, %select_n3A_641, %select_n3A_625 : vector<8x128xi1>, vector<8x128xf32>
      %select_n3A_646 = arith.select %gt3A_644, %select_n3A_625, %select_n3A_641 : vector<8x128xi1>, vector<8x128xf32>
      %select_n3A_647 = arith.select %gt3A_644, %select_n3A_643, %select_n3A_627 : vector<8x128xi1>, vector<8x128xf32>
      %select_n3A_648 = arith.select %gt3A_644, %select_n3A_627, %select_n3A_643 : vector<8x128xi1>, vector<8x128xf32>
      %gt3A_649 = arith.cmpf ogt, %select_n3A_646, %select_n3A_630 : vector<8x128xf32>
      %select_n3A_650 = arith.select %gt3A_649, %select_n3A_646, %select_n3A_630 : vector<8x128xi1>, vector<8x128xf32>
      %select_n3A_651 = arith.select %gt3A_649, %select_n3A_648, %select_n3A_631 : vector<8x128xi1>, vector<8x128xf32>
      %get3A_652 = arith.index_cast %mul3A_393 : i32 to index
      %get3A_653 = arith.constant 1536 : index
      %get3A_654 = vector.load %arg4[%get3A_652, %get3A_653] : memref<1024x2048xf32, #tpu.memory_space<vmem>>, vector<8x128xf32>
      %add3A_655 = arith.constant 1.536000e+03 : f32
      %add3A_656 = arith.addf %convert_element_type3A_17, %add3A_655 : f32
      %add3A_657 = vector.broadcast %add3A_656 : f32 to vector<8x128xf32>
      %add3A_658 = arith.addf %convert_element_type3A_18, %add3A_657 : vector<8x128xf32>
      %gt3A_659 = arith.cmpf ogt, %get3A_654, %select_n3A_640 : vector<8x128xf32>
      %select_n3A_660 = arith.select %gt3A_659, %get3A_654, %select_n3A_640 : vector<8x128xi1>, vector<8x128xf32>
      %select_n3A_661 = arith.select %gt3A_659, %select_n3A_640, %get3A_654 : vector<8x128xi1>, vector<8x128xf32>
      %select_n3A_662 = arith.select %gt3A_659, %add3A_658, %select_n3A_642 : vector<8x128xi1>, vector<8x128xf32>
      %select_n3A_663 = arith.select %gt3A_659, %select_n3A_642, %add3A_658 : vector<8x128xi1>, vector<8x128xf32>
      %gt3A_664 = arith.cmpf ogt, %select_n3A_661, %select_n3A_645 : vector<8x128xf32>
      %select_n3A_665 = arith.select %gt3A_664, %select_n3A_661, %select_n3A_645 : vector<8x128xi1>, vector<8x128xf32>
      %select_n3A_666 = arith.select %gt3A_664, %select_n3A_645, %select_n3A_661 : vector<8x128xi1>, vector<8x128xf32>
      %select_n3A_667 = arith.select %gt3A_664, %select_n3A_663, %select_n3A_647 : vector<8x128xi1>, vector<8x128xf32>
      %select_n3A_668 = arith.select %gt3A_664, %select_n3A_647, %select_n3A_663 : vector<8x128xi1>, vector<8x128xf32>
      %gt3A_669 = arith.cmpf ogt, %select_n3A_666, %select_n3A_650 : vector<8x128xf32>
      %select_n3A_670 = arith.select %gt3A_669, %select_n3A_666, %select_n3A_650 : vector<8x128xi1>, vector<8x128xf32>
      %select_n3A_671 = arith.select %gt3A_669, %select_n3A_668, %select_n3A_651 : vector<8x128xi1>, vector<8x128xf32>
      %get3A_672 = arith.index_cast %mul3A_393 : i32 to index
      %get3A_673 = arith.constant 1664 : index
      %get3A_674 = vector.load %arg4[%get3A_672, %get3A_673] : memref<1024x2048xf32, #tpu.memory_space<vmem>>, vector<8x128xf32>
      %add3A_675 = arith.constant 1.664000e+03 : f32
      %add3A_676 = arith.addf %convert_element_type3A_17, %add3A_675 : f32
      %add3A_677 = vector.broadcast %add3A_676 : f32 to vector<8x128xf32>
      %add3A_678 = arith.addf %convert_element_type3A_18, %add3A_677 : vector<8x128xf32>
      %gt3A_679 = arith.cmpf ogt, %get3A_674, %select_n3A_660 : vector<8x128xf32>
      %select_n3A_680 = arith.select %gt3A_679, %get3A_674, %select_n3A_660 : vector<8x128xi1>, vector<8x128xf32>
      %select_n3A_681 = arith.select %gt3A_679, %select_n3A_660, %get3A_674 : vector<8x128xi1>, vector<8x128xf32>
      %select_n3A_682 = arith.select %gt3A_679, %add3A_678, %select_n3A_662 : vector<8x128xi1>, vector<8x128xf32>
      %select_n3A_683 = arith.select %gt3A_679, %select_n3A_662, %add3A_678 : vector<8x128xi1>, vector<8x128xf32>
      %gt3A_684 = arith.cmpf ogt, %select_n3A_681, %select_n3A_665 : vector<8x128xf32>
      %select_n3A_685 = arith.select %gt3A_684, %select_n3A_681, %select_n3A_665 : vector<8x128xi1>, vector<8x128xf32>
      %select_n3A_686 = arith.select %gt3A_684, %select_n3A_665, %select_n3A_681 : vector<8x128xi1>, vector<8x128xf32>
      %select_n3A_687 = arith.select %gt3A_684, %select_n3A_683, %select_n3A_667 : vector<8x128xi1>, vector<8x128xf32>
      %select_n3A_688 = arith.select %gt3A_684, %select_n3A_667, %select_n3A_683 : vector<8x128xi1>, vector<8x128xf32>
      %gt3A_689 = arith.cmpf ogt, %select_n3A_686, %select_n3A_670 : vector<8x128xf32>
      %select_n3A_690 = arith.select %gt3A_689, %select_n3A_686, %select_n3A_670 : vector<8x128xi1>, vector<8x128xf32>
      %select_n3A_691 = arith.select %gt3A_689, %select_n3A_688, %select_n3A_671 : vector<8x128xi1>, vector<8x128xf32>
      %get3A_692 = arith.index_cast %mul3A_393 : i32 to index
      %get3A_693 = arith.constant 1792 : index
      %get3A_694 = vector.load %arg4[%get3A_692, %get3A_693] : memref<1024x2048xf32, #tpu.memory_space<vmem>>, vector<8x128xf32>
      %add3A_695 = arith.constant 1.792000e+03 : f32
      %add3A_696 = arith.addf %convert_element_type3A_17, %add3A_695 : f32
      %add3A_697 = vector.broadcast %add3A_696 : f32 to vector<8x128xf32>
      %add3A_698 = arith.addf %convert_element_type3A_18, %add3A_697 : vector<8x128xf32>
      %gt3A_699 = arith.cmpf ogt, %get3A_694, %select_n3A_680 : vector<8x128xf32>
      %select_n3A_700 = arith.select %gt3A_699, %get3A_694, %select_n3A_680 : vector<8x128xi1>, vector<8x128xf32>
      %select_n3A_701 = arith.select %gt3A_699, %select_n3A_680, %get3A_694 : vector<8x128xi1>, vector<8x128xf32>
      %select_n3A_702 = arith.select %gt3A_699, %add3A_698, %select_n3A_682 : vector<8x128xi1>, vector<8x128xf32>
      %select_n3A_703 = arith.select %gt3A_699, %select_n3A_682, %add3A_698 : vector<8x128xi1>, vector<8x128xf32>
      %gt3A_704 = arith.cmpf ogt, %select_n3A_701, %select_n3A_685 : vector<8x128xf32>
      %select_n3A_705 = arith.select %gt3A_704, %select_n3A_701, %select_n3A_685 : vector<8x128xi1>, vector<8x128xf32>
      %select_n3A_706 = arith.select %gt3A_704, %select_n3A_685, %select_n3A_701 : vector<8x128xi1>, vector<8x128xf32>
      %select_n3A_707 = arith.select %gt3A_704, %select_n3A_703, %select_n3A_687 : vector<8x128xi1>, vector<8x128xf32>
      %select_n3A_708 = arith.select %gt3A_704, %select_n3A_687, %select_n3A_703 : vector<8x128xi1>, vector<8x128xf32>
      %gt3A_709 = arith.cmpf ogt, %select_n3A_706, %select_n3A_690 : vector<8x128xf32>
      %select_n3A_710 = arith.select %gt3A_709, %select_n3A_706, %select_n3A_690 : vector<8x128xi1>, vector<8x128xf32>
      %select_n3A_711 = arith.select %gt3A_709, %select_n3A_708, %select_n3A_691 : vector<8x128xi1>, vector<8x128xf32>
      %get3A_712 = arith.index_cast %mul3A_393 : i32 to index
      %get3A_713 = arith.constant 1920 : index
      %get3A_714 = vector.load %arg4[%get3A_712, %get3A_713] : memref<1024x2048xf32, #tpu.memory_space<vmem>>, vector<8x128xf32>
      %add3A_715 = arith.constant 1.920000e+03 : f32
      %add3A_716 = arith.addf %convert_element_type3A_17, %add3A_715 : f32
      %add3A_717 = vector.broadcast %add3A_716 : f32 to vector<8x128xf32>
      %add3A_718 = arith.addf %convert_element_type3A_18, %add3A_717 : vector<8x128xf32>
      %gt3A_719 = arith.cmpf ogt, %get3A_714, %select_n3A_700 : vector<8x128xf32>
      %select_n3A_720 = arith.select %gt3A_719, %get3A_714, %select_n3A_700 : vector<8x128xi1>, vector<8x128xf32>
      %select_n3A_721 = arith.select %gt3A_719, %select_n3A_700, %get3A_714 : vector<8x128xi1>, vector<8x128xf32>
      %select_n3A_722 = arith.select %gt3A_719, %add3A_718, %select_n3A_702 : vector<8x128xi1>, vector<8x128xf32>
      %select_n3A_723 = arith.select %gt3A_719, %select_n3A_702, %add3A_718 : vector<8x128xi1>, vector<8x128xf32>
      %gt3A_724 = arith.cmpf ogt, %select_n3A_721, %select_n3A_705 : vector<8x128xf32>
      %select_n3A_725 = arith.select %gt3A_724, %select_n3A_721, %select_n3A_705 : vector<8x128xi1>, vector<8x128xf32>
      %select_n3A_726 = arith.select %gt3A_724, %select_n3A_705, %select_n3A_721 : vector<8x128xi1>, vector<8x128xf32>
      %select_n3A_727 = arith.select %gt3A_724, %select_n3A_723, %select_n3A_707 : vector<8x128xi1>, vector<8x128xf32>
      %select_n3A_728 = arith.select %gt3A_724, %select_n3A_707, %select_n3A_723 : vector<8x128xi1>, vector<8x128xf32>
      %gt3A_729 = arith.cmpf ogt, %select_n3A_726, %select_n3A_710 : vector<8x128xf32>
      %select_n3A_730 = arith.select %gt3A_729, %select_n3A_726, %select_n3A_710 : vector<8x128xi1>, vector<8x128xf32>
      %select_n3A_731 = arith.select %gt3A_729, %select_n3A_728, %select_n3A_711 : vector<8x128xi1>, vector<8x128xf32>
      %swap3A_732 = arith.index_cast %mul3A_393 : i32 to index
      %swap3A_733 = arith.constant 0 : index
      %swap3A_734 = vector.load %arg5[%swap3A_732, %swap3A_733] : memref<1024x128xf32, #tpu.memory_space<vmem>>, vector<8x128xf32>
      tpu.vector_store %arg5[%swap3A_732, %swap3A_733], %select_n3A_720 {strides = array<i32>} : memref<1024x128xf32, #tpu.memory_space<vmem>>, vector<8x128xf32>,
      %swap3A_735 = arith.index_cast %mul3A_393 : i32 to index
      %swap3A_736 = arith.constant 0 : index
      %swap3A_737 = vector.load %arg6[%swap3A_735, %swap3A_736] : memref<1024x128xf32, #tpu.memory_space<vmem>>, vector<8x128xf32>
      tpu.vector_store %arg6[%swap3A_735, %swap3A_736], %select_n3A_725 {strides = array<i32>} : memref<1024x128xf32, #tpu.memory_space<vmem>>, vector<8x128xf32>,
      %swap3A_738 = arith.index_cast %mul3A_393 : i32 to index
      %swap3A_739 = arith.constant 0 : index
      %swap3A_740 = vector.load %arg7[%swap3A_738, %swap3A_739] : memref<1024x128xf32, #tpu.memory_space<vmem>>, vector<8x128xf32>
      tpu.vector_store %arg7[%swap3A_738, %swap3A_739], %select_n3A_730 {strides = array<i32>} : memref<1024x128xf32, #tpu.memory_space<vmem>>, vector<8x128xf32>,
      %swap3A_741 = arith.index_cast %mul3A_393 : i32 to index
      %swap3A_742 = arith.constant 0 : index
      %swap3A_743 = vector.load %arg8[%swap3A_741, %swap3A_742] : memref<1024x128xf32, #tpu.memory_space<vmem>>, vector<8x128xf32>
      tpu.vector_store %arg8[%swap3A_741, %swap3A_742], %select_n3A_722 {strides = array<i32>} : memref<1024x128xf32, #tpu.memory_space<vmem>>, vector<8x128xf32>,
      %swap3A_744 = arith.index_cast %mul3A_393 : i32 to index
      %swap3A_745 = arith.constant 0 : index
      %swap3A_746 = vector.load %arg9[%swap3A_744, %swap3A_745] : memref<1024x128xf32, #tpu.memory_space<vmem>>, vector<8x128xf32>
      tpu.vector_store %arg9[%swap3A_744, %swap3A_745], %select_n3A_727 {strides = array<i32>} : memref<1024x128xf32, #tpu.memory_space<vmem>>, vector<8x128xf32>,
      %swap3A_747 = arith.index_cast %mul3A_393 : i32 to index
      %swap3A_748 = arith.constant 0 : index
      %swap3A_749 = vector.load %arg10[%swap3A_747, %swap3A_748] : memref<1024x128xf32, #tpu.memory_space<vmem>>, vector<8x128xf32>
      tpu.vector_store %arg10[%swap3A_747, %swap3A_748], %select_n3A_731 {strides = array<i32>} : memref<1024x128xf32, #tpu.memory_space<vmem>>, vector<8x128xf32>,
    }
    %scan3A_22 = arith.constant 64 : i32
    %eq3A_23 = arith.constant 48 : i32
    %eq3A_24 = arith.cmpi eq, %arg0, %eq3A_23 : i32
    %convert_element_type3A_25 = arith.extui %eq3A_24 : i1 to i32
    %cond3A_26 = arith.constant 0 : i32
    %cond3A_27 = arith.cmpi ne, %convert_element_type3A_25, %cond3A_26 : i32
    scf.if %cond3A_27 {
      %get3A_28 = arith.constant 0 : index
      %get3A_29 = arith.constant 0 : index
      %get3A_30 = vector.load %arg5[%get3A_28, %get3A_29] : memref<1024x128xf32, #tpu.memory_space<vmem>>, vector<1024x128xf32>
      %get3A_31 = arith.constant 0 : index
      %get3A_32 = arith.constant 0 : index
      %get3A_33 = vector.load %arg6[%get3A_31, %get3A_32] : memref<1024x128xf32, #tpu.memory_space<vmem>>, vector<1024x128xf32>
      %get3A_34 = arith.constant 0 : index
      %get3A_35 = arith.constant 0 : index
      %get3A_36 = vector.load %arg7[%get3A_34, %get3A_35] : memref<1024x128xf32, #tpu.memory_space<vmem>>, vector<1024x128xf32>
      %get3A_37 = arith.constant 0 : index
      %get3A_38 = arith.constant 0 : index
      %get3A_39 = vector.load %arg8[%get3A_37, %get3A_38] : memref<1024x128xf32, #tpu.memory_space<vmem>>, vector<1024x128xf32>
      %get3A_40 = arith.constant 0 : index
      %get3A_41 = arith.constant 0 : index
      %get3A_42 = vector.load %arg9[%get3A_40, %get3A_41] : memref<1024x128xf32, #tpu.memory_space<vmem>>, vector<1024x128xf32>
      %get3A_43 = arith.constant 0 : index
      %get3A_44 = arith.constant 0 : index
      %get3A_45 = vector.load %arg10[%get3A_43, %get3A_44] : memref<1024x128xf32, #tpu.memory_space<vmem>>, vector<1024x128xf32>
      %iota3A_46 = tpu.iota {dimensions = array<i32: 1>} : vector<1024x128xi32>
      %reduce_max3A = arith.constant dense<0xFF800000> : vector<1024xf32>
      %reduce_max3A_47 = vector.multi_reduction <maximumf>, %get3A_30, %reduce_max3A [1] : vector<1024x128xf32> to vector<1024xf32>
      %broadcast_in_dim3A = vector.shape_cast %reduce_max3A_47 : vector<1024xf32> to vector<1024x1xf32>
      %eq3A_48 = vector.broadcast %broadcast_in_dim3A : vector<1024x1xf32> to vector<1024x128xf32>
      %eq3A_49 = arith.cmpf oeq, %get3A_30, %eq3A_48 : vector<1024x128xf32>
      %jit3A = arith.constant 128 : i32
      %broadcast_in_dim3A_50 = vector.broadcast %jit3A : i32 to vector<1024x128xi32>
      %select_n3A = arith.select %eq3A_49, %iota3A_46, %broadcast_in_dim3A_50 : vector<1024x128xi1>, vector<1024x128xi32>
      %reduce_min3A = arith.constant dense<2147483647> : vector<1024xi32>
      %reduce_min3A_51 = vector.multi_reduction <minsi>, %select_n3A, %reduce_min3A [1] : vector<1024x128xi32> to vector<1024xi32>
      %broadcast_in_dim3A_52 = vector.shape_cast %reduce_min3A_51 : vector<1024xi32> to vector<1024x1xi32>
      %eq3A_53 = vector.broadcast %broadcast_in_dim3A_52 : vector<1024x1xi32> to vector<1024x128xi32>
      %eq3A_54 = arith.cmpi eq, %iota3A_46, %eq3A_53 : vector<1024x128xi32>
      %jit3A_55 = arith.constant 0.000000e+00 : f32
      %broadcast_in_dim3A_56 = vector.broadcast %jit3A_55 : f32 to vector<1024x128xf32>
      %select_n3A_57 = arith.select %eq3A_54, %get3A_39, %broadcast_in_dim3A_56 : vector<1024x128xi1>, vector<1024x128xf32>
      %reduce_sum3A = arith.constant dense<0.000000e+00> : vector<1024xf32>
      %reduce_sum3A_58 = vector.multi_reduction <add>, %select_n3A_57, %reduce_sum3A [1] : vector<1024x128xf32> to vector<1024xf32>
      %broadcast_in_dim3A_59 = vector.shape_cast %reduce_sum3A_58 : vector<1024xf32> to vector<1024x1xf32>
      %convert_element_type3A_60 = arith.fptosi %broadcast_in_dim3A_59 : vector<1024x1xf32> to vector<1024x1xi32>
      %swap3A_61 = arith.constant 0 : index
      %swap3A_62 = arith.constant 2 : index
      %swap3A_63 = vector.load %arg3[%swap3A_61, %swap3A_62] : memref<1024x3xi32, #tpu.memory_space<vmem>>, vector<1024x1xi32>
      tpu.vector_store %arg3[%swap3A_61, %swap3A_62], %convert_element_type3A_60 {strides = array<i32>} : memref<1024x3xi32, #tpu.memory_space<vmem>>, vector<1024x1xi32>,
      %select_n3A_64 = arith.select %eq3A_54, %get3A_33, %get3A_30 : vector<1024x128xi1>, vector<1024x128xf32>
      %select_n3A_65 = arith.select %eq3A_54, %get3A_42, %get3A_39 : vector<1024x128xi1>, vector<1024x128xf32>
      %select_n3A_66 = arith.select %eq3A_54, %get3A_36, %get3A_33 : vector<1024x128xi1>, vector<1024x128xf32>
      %select_n3A_67 = arith.select %eq3A_54, %get3A_45, %get3A_42 : vector<1024x128xi1>, vector<1024x128xf32>
      %reduce_max3A_68 = arith.constant dense<0xFF800000> : vector<1024xf32>
      %reduce_max3A_69 = vector.multi_reduction <maximumf>, %select_n3A_64, %reduce_max3A_68 [1] : vector<1024x128xf32> to vector<1024xf32>
      %broadcast_in_dim3A_70 = vector.shape_cast %reduce_max3A_69 : vector<1024xf32> to vector<1024x1xf32>
      %eq3A_71 = vector.broadcast %broadcast_in_dim3A_70 : vector<1024x1xf32> to vector<1024x128xf32>
      %eq3A_72 = arith.cmpf oeq, %select_n3A_64, %eq3A_71 : vector<1024x128xf32>
      %jit3A_73 = arith.constant 128 : i32
      %broadcast_in_dim3A_74 = vector.broadcast %jit3A_73 : i32 to vector<1024x128xi32>
      %select_n3A_75 = arith.select %eq3A_72, %iota3A_46, %broadcast_in_dim3A_74 : vector<1024x128xi1>, vector<1024x128xi32>
      %reduce_min3A_76 = arith.constant dense<2147483647> : vector<1024xi32>
      %reduce_min3A_77 = vector.multi_reduction <minsi>, %select_n3A_75, %reduce_min3A_76 [1] : vector<1024x128xi32> to vector<1024xi32>
      %broadcast_in_dim3A_78 = vector.shape_cast %reduce_min3A_77 : vector<1024xi32> to vector<1024x1xi32>
      %eq3A_79 = vector.broadcast %broadcast_in_dim3A_78 : vector<1024x1xi32> to vector<1024x128xi32>
      %eq3A_80 = arith.cmpi eq, %iota3A_46, %eq3A_79 : vector<1024x128xi32>
      %jit3A_81 = arith.constant 0.000000e+00 : f32
      %broadcast_in_dim3A_82 = vector.broadcast %jit3A_81 : f32 to vector<1024x128xf32>
      %select_n3A_83 = arith.select %eq3A_80, %select_n3A_65, %broadcast_in_dim3A_82 : vector<1024x128xi1>, vector<1024x128xf32>
      %reduce_sum3A_84 = arith.constant dense<0.000000e+00> : vector<1024xf32>
      %reduce_sum3A_85 = vector.multi_reduction <add>, %select_n3A_83, %reduce_sum3A_84 [1] : vector<1024x128xf32> to vector<1024xf32>
      %broadcast_in_dim3A_86 = vector.shape_cast %reduce_sum3A_85 : vector<1024xf32> to vector<1024x1xf32>
      %convert_element_type3A_87 = arith.fptosi %broadcast_in_dim3A_86 : vector<1024x1xf32> to vector<1024x1xi32>
      %swap3A_88 = arith.constant 0 : index
      %swap3A_89 = arith.constant 1 : index
      %swap3A_90 = vector.load %arg3[%swap3A_88, %swap3A_89] : memref<1024x3xi32, #tpu.memory_space<vmem>>, vector<1024x1xi32>
      tpu.vector_store %arg3[%swap3A_88, %swap3A_89], %convert_element_type3A_87 {strides = array<i32>} : memref<1024x3xi32, #tpu.memory_space<vmem>>, vector<1024x1xi32>,
      %select_n3A_91 = arith.select %eq3A_80, %select_n3A_66, %select_n3A_64 : vector<1024x128xi1>, vector<1024x128xf32>
      %select_n3A_92 = arith.select %eq3A_80, %select_n3A_67, %select_n3A_65 : vector<1024x128xi1>, vector<1024x128xf32>
      %reduce_max3A_93 = arith.constant dense<0xFF800000> : vector<1024xf32>
      %reduce_max3A_94 = vector.multi_reduction <maximumf>, %select_n3A_91, %reduce_max3A_93 [1] : vector<1024x128xf32> to vector<1024xf32>
      %broadcast_in_dim3A_95 = vector.shape_cast %reduce_max3A_94 : vector<1024xf32> to vector<1024x1xf32>
      %eq3A_96 = vector.broadcast %broadcast_in_dim3A_95 : vector<1024x1xf32> to vector<1024x128xf32>
      %eq3A_97 = arith.cmpf oeq, %select_n3A_91, %eq3A_96 : vector<1024x128xf32>
      %jit3A_98 = arith.constant 128 : i32
      %broadcast_in_dim3A_99 = vector.broadcast %jit3A_98 : i32 to vector<1024x128xi32>
      %select_n3A_100 = arith.select %eq3A_97, %iota3A_46, %broadcast_in_dim3A_99 : vector<1024x128xi1>, vector<1024x128xi32>
      %reduce_min3A_101 = arith.constant dense<2147483647> : vector<1024xi32>
      %reduce_min3A_102 = vector.multi_reduction <minsi>, %select_n3A_100, %reduce_min3A_101 [1] : vector<1024x128xi32> to vector<1024xi32>
      %broadcast_in_dim3A_103 = vector.shape_cast %reduce_min3A_102 : vector<1024xi32> to vector<1024x1xi32>
      %eq3A_104 = vector.broadcast %broadcast_in_dim3A_103 : vector<1024x1xi32> to vector<1024x128xi32>
      %eq3A_105 = arith.cmpi eq, %iota3A_46, %eq3A_104 : vector<1024x128xi32>
      %jit3A_106 = arith.constant 0.000000e+00 : f32
      %broadcast_in_dim3A_107 = vector.broadcast %jit3A_106 : f32 to vector<1024x128xf32>
      %select_n3A_108 = arith.select %eq3A_105, %select_n3A_92, %broadcast_in_dim3A_107 : vector<1024x128xi1>, vector<1024x128xf32>
      %reduce_sum3A_109 = arith.constant dense<0.000000e+00> : vector<1024xf32>
      %reduce_sum3A_110 = vector.multi_reduction <add>, %select_n3A_108, %reduce_sum3A_109 [1] : vector<1024x128xf32> to vector<1024xf32>
      %broadcast_in_dim3A_111 = vector.shape_cast %reduce_sum3A_110 : vector<1024xf32> to vector<1024x1xf32>
      %convert_element_type3A_112 = arith.fptosi %broadcast_in_dim3A_111 : vector<1024x1xf32> to vector<1024x1xi32>
      %swap3A_113 = arith.constant 0 : index
      %swap3A_114 = arith.constant 0 : index
      %swap3A_115 = vector.load %arg3[%swap3A_113, %swap3A_114] : memref<1024x3xi32, #tpu.memory_space<vmem>>, vector<1024x1xi32>
      tpu.vector_store %arg3[%swap3A_113, %swap3A_114], %convert_element_type3A_112 {strides = array<i32>} : memref<1024x3xi32, #tpu.memory_space<vmem>>, vector<1024x1xi32>,
    } else {
    }
    return
  }
  func.func @transform_0(%arg0: i32) -> (i32, i32) {
    %c0_i32 = arith.constant 0 : i32
    %c0_i32_0 = arith.constant 0 : i32
    %c0_i32_1 = arith.constant 0 : i32
    return %c0_i32, %c0_i32_0 : i32, i32
  }
  func.func @transform_1(%arg0: i32) -> (i32, i32) {
    %c0_i32 = arith.constant 0 : i32
    %c0_i32_0 = arith.constant 0 : i32
    return %arg0, %c0_i32 : i32, i32
  }
  func.func @transform_2(%arg0: i32) -> (i32, i32) {
    %c0_i32 = arith.constant 0 : i32
    %c0_i32_0 = arith.constant 0 : i32
    %c0_i32_1 = arith.constant 0 : i32
    return %c0_i32, %c0_i32_0 : i32, i32
  }
}

module attributes {stable_mosaic.version = 14 : i64} {
  func.func @_mlp_body(%arg0: memref<3072x32xf32, #tpu.memory_space<vmem>>, %arg1: memref<16x16xf32, #tpu.memory_space<vmem>>, %arg2: memref<1x16xf32, #tpu.memory_space<vmem>>, %arg3: memref<16x128xf32, #tpu.memory_space<vmem>>, %arg4: memref<1x128xf32, #tpu.memory_space<vmem>>, %arg5: memref<3072x128xf32, #tpu.memory_space<vmem>>) attributes {dimension_semantics = [], scalar_prefetch = 0 : i64, scratch_operands = 0 : i64, tpu.core_type = #tpu.core_type<tc>} {
    %get3A = arith.constant 0 : index
    %get3A_0 = arith.constant 0 : index
    %get3A_1 = vector.load %arg0[%get3A, %get3A_0] : memref<3072x32xf32, #tpu.memory_space<vmem>>, vector<3072x32xf32>
    %slice3A = vector.extract_strided_slice %get3A_1 {offsets = [0, 0], sizes = [3072, 16], strides = [1, 1]} : vector<3072x32xf32> to vector<3072x16xf32>
    %get3A_2 = arith.constant 0 : index
    %get3A_3 = arith.constant 0 : index
    %get3A_4 = vector.load %arg1[%get3A_2, %get3A_3] : memref<16x16xf32, #tpu.memory_space<vmem>>, vector<16x16xf32>
    %dot_general3A = arith.constant dense<0.000000e+00> : vector<3072x16xf32>
    %dot_general3A_5 = tpu.matmul %slice3A, %get3A_4, %dot_general3A {dimension_numbers = #tpu.dot_dimension_numbers<[1], [0], [0], [1], [0, 0, 1, 1], [], []>, transpose_lhs_hint = false} : vector<3072x16xf32>, vector<16x16xf32>, vector<3072x16xf32> -> vector<3072x16xf32>
    %get3A_6 = arith.constant 0 : index
    %get3A_7 = arith.constant 0 : index
    %get3A_8 = vector.load %arg2[%get3A_6, %get3A_7] : memref<1x16xf32, #tpu.memory_space<vmem>>, vector<1x16xf32>
    %add3A = vector.broadcast %get3A_8 : vector<1x16xf32> to vector<3072x16xf32>
    %add3A_9 = arith.addf %dot_general3A_5, %add3A : vector<3072x16xf32>
    %tanh3A = math.tanh %add3A_9 : vector<3072x16xf32>
    %get3A_10 = arith.constant 0 : index
    %get3A_11 = arith.constant 0 : index
    %get3A_12 = vector.load %arg3[%get3A_10, %get3A_11] : memref<16x128xf32, #tpu.memory_space<vmem>>, vector<16x128xf32>
    %dot_general3A_13 = arith.constant dense<0.000000e+00> : vector<3072x128xf32>
    %dot_general3A_14 = tpu.matmul %tanh3A, %get3A_12, %dot_general3A_13 {dimension_numbers = #tpu.dot_dimension_numbers<[1], [0], [0], [1], [0, 0, 1, 1], [], []>, transpose_lhs_hint = false} : vector<3072x16xf32>, vector<16x128xf32>, vector<3072x128xf32> -> vector<3072x128xf32>
    %get3A_15 = arith.constant 0 : index
    %get3A_16 = arith.constant 0 : index
    %get3A_17 = vector.load %arg4[%get3A_15, %get3A_16] : memref<1x128xf32, #tpu.memory_space<vmem>>, vector<1x128xf32>
    %add3A_18 = vector.broadcast %get3A_17 : vector<1x128xf32> to vector<3072x128xf32>
    %add3A_19 = arith.addf %dot_general3A_14, %add3A_18 : vector<3072x128xf32>
    %swap3A = arith.constant 0 : index
    %swap3A_20 = arith.constant 0 : index
    %swap3A_21 = vector.load %arg5[%swap3A, %swap3A_20] : memref<3072x128xf32, #tpu.memory_space<vmem>>, vector<3072x128xf32>
    tpu.vector_store %arg5[%swap3A, %swap3A_20], %add3A_19 {strides = array<i32>} : memref<3072x128xf32, #tpu.memory_space<vmem>>, vector<3072x128xf32>,
    return
  }
}

</mosaic_0001>

<sc_bundles>
// kernel: kernel.6.cloned.1.call-start
scs
__scs_entry_jumppad:
0x0: {  	(pc) =	sbr.rel $0x88, $3  }
0x1: {  	(tag) =	ssettag $0x0;
	lr =	simm.s32 $0x1  }
0x2: {  	[smem:$0x3F97] =	sst lr;
	_ =	strace $0xD0000000  }
0x3: {  	_ = 	snop  }
0x4: {  	_ = 	snop  }
0x5: {  	_ = 	snop  }
0x6: {  	_ = 	snop  }
0x7: {  	_ = 	snop  }
__scs_overlays_trampoline_lowered:
0x8: {  	[smem:$0x3FA6] =	sst s0  }
0x9: {  	[smem:$0x3FA7] =	sst s1  }
0xa: {  	[smem:$0x3FA8] =	sst s2  }
0xb: {  	[smem:$0x3FA9] =	sst s3  }
0xc: {  	[smem:$0x3FAA] =	sst s4  }
0xd: {  	[smem:$0x3FAB] =	sst s5  }
0xe: {  	[smem:$0x3FAC] =	sst s6  }
0xf: {  	[smem:$0x3FAD] =	sst s7  }
0x10: {  	[smem:$0x3FAE] =	sst s8  }
0x11: {  	[smem:$0x3FAF] =	sst s9;
	s0 =	simm.s32 @!p0 $0x0  }
0x12: {  	s1 =	sld [smem:$0x3F95];
	s0 =	simm.s32 @p0 $0x1  }
0x13: {  	[smem:$0x3FB0] =	sst s0;
	s0 =	simm.s32 @!p1 $0x0  }
0x14: {  	s2 =	sld [smem:$0x3F94];
	s0 =	simm.s32 @p1 $0x1  }
0x15: {  	[smem:$0x3FB1] =	sst s0;
	s0 =	simm.s32 @!p2 $0x0  }
0x16: {  	s3 =	sld [smem:$0x3FDB];
	s0 =	simm.s32 @p2 $0x1  }
0x17: {  	s4 =	simm.s32 $0x1BF5;
	[smem:$0x3FB3] =	sst s0  }
0x18: {  	s0 =	sld [smem:$0x3F96];
	_ =	swait.ge [sflag:s4], $0x0  }
0x19: {  	s7 =	sld [smem:$0x3F97]  }
0x1a: {  	s8 =	sadd.s32 $0xFFFFE003, lr  }
0x1b: {  	s9 =	sadd.s32 $0xFFFFFEF7, lr;
	s5 =	simm.s32 $0xFFFFFFFF;
	p2 =	slt.u32 s8, $0xFFFFF086  }
0x1c: {  	p1 =	slt.u32 s9, $0xF7A;
	s5 =	simm.s32 @!p2 $0x0  }
0x1d: {  	s5 =	simm.s32 @p1 $0x1;
	p0 =	seq.s32 s7, s2  }
0x1e: {  	s7 =	smul.u32 @!p0 $0xF7A, s2;
	p2 =	seq.s32 @!p0 s5, $0x0  }
0x1f: {  	s9 =	smul.u32 $0xF7A, s1;
	s8 =	simm.s32 @!p0 $0x1BF5;
	p2 =	por !p2, p0  }
0x20: {  	[sflag:s8] =	ssyncset.s32 @!p0 $0xFFFFF086;
	s6 =	sadd.s32 @!p0 s3, s7;
	s7 =	simm.s32 @!p0 $0x108  }
0x21: {  	s3 =	sadd.s32 s3, s9;
	s6 =	sadd.s32 @!p0 $0x88, s6;
	s7 =	simm.s32 @p2 $0x1082  }
0x22: {  	[simem:s7], [sflag:s8] =	dma.local @!p0 [hbm:s6], $0xF7A  }
0x23: {  	s9 =	sor.u32 $0xD0000000, s2;
	s6 =	simm.s32 $0x108;
	_ =	swait.ge @!p0 [sflag:s8], $0x0  }
0x24: {  	s3 =	sadd.s32 $0x88, s3;
	s6 =	simm.s32 @!p1 $0x1082;
	[sflag:s4] =	ssyncset.s32 $0xFFFFF086  }
0x25: {  	[simem:s6], [sflag:s4] =	dma.local [hbm:s3], $0xF7A  }
0x26: {  	[smem:$0x3F97] =	sst s1;
	(tag) =	ssettag s2;
	_ =	strace s9  }
0x27: {  	s1 =	sld [smem:$0x3FA7]  }
0x28: {  	s2 =	sld [smem:$0x3FA8]  }
0x29: {  	s4 =	sld [smem:$0x3FAA]  }
0x2a: {  	p0 =	seq.s32 s5, $0x0;
	s5 =	sld [smem:$0x3FAB]  }
0x2b: {  	s6 =	sld [smem:$0x3FAC]  }
0x2c: {  	s7 =	sld [smem:$0x3FAD]  }
0x2d: {  	s3 =	simm.s32 $0x108;
	s8 =	sld [smem:$0x3FAE]  }
0x2e: {  	s3 =	simm.s32 @!p0 $0x1082;
	s9 =	sld [smem:$0x3FAF]  }
0x2f: {  	lr =	sadd.s32 s0, s3;
	s0 =	sld [smem:$0x3FA6]  }
0x30: {  	s3 =	sld [smem:$0x3FA9]  }
0x31: {  	[smem:$0x3FB2] =	sst s10  }
0x32: {  	s10 =	sld [smem:$0x3FB0];
	_ =	sdelay $0x3  }
0x33: {  	p0 =	seq.s32 s10, $0x1;
	s10 =	sld [smem:$0x3FB2];
	_ =	sdelay $0x3  }
0x34: {  	[smem:$0x3FB2] =	sst s10  }
0x35: {  	s10 =	sld [smem:$0x3FB1];
	_ =	sdelay $0x3  }
0x36: {  	p1 =	seq.s32 s10, $0x1;
	s10 =	sld [smem:$0x3FB2];
	_ =	sdelay $0x3  }
0x37: {  	[smem:$0x3FB2] =	sst s10  }
0x38: {  	s10 =	sld [smem:$0x3FB3]  }
0x39: {  	_ = 	snop;
	(pc) =	sbr.ind lr, $3  }
0x3a: {  	_ = 	snop  }
0x3b: {  	_ = 	snop  }
0x3c: {  	p2 =	seq.s32 s10, $0x1;
	s10 =	sld [smem:$0x3FB2]  }
0x3d: {  	_ =	shalt  }
0x3e: {  	_ =	shalt  }
0x3f: {  	_ =	shalt  }
0x40: {  	_ =	shalt  }
0x41: {  	_ =	shalt  }
0x42: {  	_ =	shalt  }
0x43: {  	_ =	shalt  }
0x44: {  	_ =	shalt  }
0x45: {  	_ =	shalt  }
0x46: {  	_ =	shalt  }
0x47: {  	_ =	shalt  }
0x48: {  	_ =	shalt  }
0x49: {  	_ =	shalt  }
0x4a: {  	_ =	shalt  }
0x4b: {  	_ =	shalt  }
0x4c: {  	_ =	shalt  }
0x4d: {  	_ =	shalt  }
0x4e: {  	_ =	shalt  }
0x4f: {  	_ =	shalt  }
0x50: {  	_ =	shalt  }
0x51: {  	_ =	shalt  }
0x52: {  	_ =	shalt  }
0x53: {  	_ =	shalt  }
0x54: {  	_ =	shalt  }
0x55: {  	_ =	shalt  }
0x56: {  	_ =	shalt  }
0x57: {  	_ =	shalt  }
0x58: {  	_ =	shalt  }
0x59: {  	_ =	shalt  }
0x5a: {  	_ =	shalt  }
0x5b: {  	_ =	shalt  }
0x5c: {  	_ =	shalt  }
0x5d: {  	_ =	shalt  }
0x5e: {  	_ =	shalt  }
0x5f: {  	_ =	shalt  }
0x60: {  	_ =	shalt  }
0x61: {  	_ =	shalt  }
0x62: {  	_ =	shalt  }
0x63: {  	_ =	shalt  }
0x64: {  	_ =	shalt  }
0x65: {  	_ =	shalt  }
0x66: {  	_ =	shalt  }
0x67: {  	_ =	shalt  }
0x68: {  	_ =	shalt  }
0x69: {  	_ =	shalt  }
0x6a: {  	_ =	shalt  }
0x6b: {  	_ =	shalt  }
0x6c: {  	_ =	shalt  }
0x6d: {  	_ =	shalt  }
0x6e: {  	_ =	shalt  }
0x6f: {  	_ =	shalt  }
0x70: {  	_ =	shalt  }
0x71: {  	_ =	shalt  }
0x72: {  	_ =	shalt  }
0x73: {  	_ =	shalt  }
0x74: {  	_ =	shalt  }
0x75: {  	_ =	shalt  }
0x76: {  	_ =	shalt  }
0x77: {  	_ =	shalt  }
0x78: {  	_ =	shalt  }
0x79: {  	_ =	shalt  }
0x7a: {  	_ =	shalt  }
0x7b: {  	_ =	shalt  }
0x7c: {  	_ =	shalt  }
0x7d: {  	_ =	shalt  }
0x7e: {  	_ =	shalt  }
0x7f: {  	_ =	shalt  }
0x80: {  	_ =	shalt  }
0x81: {  	_ =	shalt  }
0x82: {  	_ =	shalt  }
0x83: {  	_ =	shalt  }
0x84: {  	_ =	shalt  }
0x85: {  	_ =	shalt  }
0x86: {  	_ =	shalt  }
0x87: {  	_ =	shalt  }
.Lfunc_end0:
.L_simem_size_0:
called_computation_lowered:
.L_overlay_start_0:
0x88: {  	s2 =	sld [smem:$0x3FD9]  }
0x89: {  	s3 =	sld [smem:$0x3FFE];
	_ =	sdelay $0x1  }
0x8a: {  	s1 =	srdreg.scid  }
0x8b: {  	s0 =	sand.u32 $0x1, s1  }
0x8c: {  	s17 =	sshll.u32 s0, $0xA;
	s2 =	sadd.s32 s3, s2  }
0x8d: {  	s2 =	sadd.s32 s2, s17  }
0x8e: {  	[smem:$0x3FBE] =	sst s2  }
0x8f: {  	_ = 	snop  }
0x90: {  	s2 =	sld [smem:$0x3FD0];
	(tm) =	ssettm $0x1  }
0x91: {  	s18 =	sld [smem:$0x3FFB];
	_ =	sdelay $0x3  }
0x92: {  	_ =	strace s18  }
0x93: {  	s3 =	sld [smem:$0x3FFC];
	_ =	sdelay $0x3  }
0x94: {  	_ =	strace s3  }
0x95: {  	s3 =	sld [smem:$0x3FFD];
	_ =	sdelay $0x3  }
0x96: {  	_ =	strace s3  }
0x97: {  	_ =	strace $0x8FFFFFFF  }
0x98: {  	s19 =	sld [smem:$0x3FDB];
	_ =	sdelay $0x1  }
0x99: {  	s4 =	simm.s32 $_scs_section_size  }
0x9a: {  	s5 =	simm.s32 $_size__tile_overlayer_lowered;
	s6 =	simm.s32 $_tile_overlayer_lowered  }
0x9b: {  	s22 =	simm.s32 $0x1BFF;
	s21 =	sshll.u32 s6, $0x1;
	s3 =	sadd.s32 s4, s19  }
0x9c: {  	s7 =	simm.s32 $0x0;
	s20 =	sshll.u32 s5, $0x1;
	s5 =	sadd.s32 s21, s3  }
0x9d: {  	[timem:s7], [sflag:s22] =	dma.local [hbm:s5], s20  }
0x9e: {  	_ =	swait.ge [sflag:s22], s20  }
0x9f: {  	s4 =	ssub.s32 $0x0, s20;
	[sflag:s22] =	ssyncset.done $0x0  }
0xa0: {  	[sflag:s22] =	ssyncadd.s32 s4;
	_ =	sdelay $0x1  }
0xa1: {  	s23 =	simm.s32 $0x1B8B  }
0xa2: {  	_ =	swait.ge [sflag:s23], $0x1  }
0xa3: {  	[sflag:s23] =	ssyncset.done $0x0  }
0xa4: {  	s25 =	simm.s32 $0x1B8E;
	s24 =	sld [smem:$0x3FFE];
	[sflag:s23] =	ssyncadd.s32 $0xFFFFFFFF  }
0xa5: {  	s26 =	simm.s32 $execute0_lowered;
	[smem:$0x3FD2] =	sst s25  }
0xa6: {  	s5 =	sshll.u32 s26, $0x1;
	_ =	strace $0x80000046;
	[dreg:$0x1] =	wrdreg $0xFFFFFFFF  }
0xa7: {  	s28 =	simm.s32 $_size_execute0_lowered;
	s3 =	sadd.s32 s3, s5;
	[dreg:$0x0] =	wrdreg $0x0  }
0xa8: {  	s5 =	sshll.u32 s28, $0x1;
	[dreg:$0x2] =	wrdreg s3  }
0xa9: {  	[dreg:$0x3] =	wrdreg s5  }
0xaa: {  	[dreg:$0x4] =	wrdreg $0xC0  }
0xab: {  	_ =	task [dreg:s7], $0x5FFFF  }
0xac: {  	[dreg:$0x1] =	wrdreg $0xFFFFFFFF  }
0xad: {  	[dreg:$0x0] =	wrdreg $0x60  }
0xae: {  	[dreg:$0x2] =	wrdreg s24  }
0xaf: {  	[dreg:$0x3] =	wrdreg s2  }
0xb0: {  	[dreg:$0x4] =	wrdreg $0x9  }
0xb1: {  	_ =	task.clear_ibuf [dreg:s7], $0x5FFFF;
	_ =	strace $0x90000046  }
0xb2: {  	s29 =	simm.s32 $0x9;
	_ =	strace $0x80000048  }
0xb3: {  	_ =	swait.ge [sflag:s29], $0x1  }
0xb4: {  	[sflag:s29] =	ssyncadd.s32 $0xFFFFFFFF  }
0xb5: {  	_ =	strace $0x90000048  }
0xb6: {  	_ =	sfence  }
0xb7: {  	s30 =	sld [smem:$0x0];
	_ =	sdelay $0x2  }
0xb8: {  	s31 =	sshll.u32 s1, $0xD;
	s1 =	sshrl.u32 s1, $0x2  }
0xb9: {  	s3 =	sand.u32 $0x4000, s31;
	s1 =	sadd.s32 s1, s30  }
0xba: {  	s0 =	sor.u32 s3, s0;
	s1 =	sshll.u32 s1, $0x11  }
0xbb: {  	s0 =	sor.u32 s1, s0  }
0xbc: {  	s0 =	sadd.s32 $0x8F2B, s0  }
0xbd: {  	[sflag:s0] =	ssyncadd.remote.s32 $0x1  }
0xbe: {  	_ =	sfence.sel $0xFFFF  }
0xbf: {  	[dreg:$0x0] =	wrdreg $0xFFFFFFFF;
	(pc) =	sbr.abs _section_cstart, $3  }
0xc0: {  	[dreg:$0x1] =	wrdreg $0xFFFFFFFF  }
0xc1: {  	_ =	task.clear_ibuf [dreg:s7], $0x2FFFF;
	_ =	strace $0x9FFFFFFF  }
0xc2: {  	(tm) =	ssettm $0x7FFFFFFF  }
0xc3: {  	_ =	shalt  }
tec
execute0_lowered:
.L_overlay_start_1:
0x0: {  	(tag) =	ssettag $0x1  }
0x1: {  	s1 =	srdreg.scid;
	s0 =	stileid.u32  }
0x2: {  	s6 =	sand.u32 $0x1, s1;
	s30 =	sshll.u32 s0, $0x1  }
0x3: {  	s5 =	rddreg [dreg:$0x0];
	s8 =	sor.u32 s6, s30  }
0x4: {  	s9 =	rddreg [dreg:$0x1];
	s2 =	simm.s32 $0x0;
	s3 =	smul.u32 $0xC, s8  }
0x5: {  	[smem:$0x7FF] =	sst s2  }
0x6: {  	s1 =	rddreg [dreg:$0x2];
	_ =	strace $0x80000047;
	s3 =	sadd.s32 s3, s5  }
0x7: {  	s10 =	ssub.s32 $0x2, s6;
	s4 =	sadd.s32 $0x1400, s3;
	s3 =	simm.s32 $0x2  }
0x8: {  	[tilespmem:s2], [sflag:$0x2] =	stream.linear.gather [hbm4b:s4+s2], $0x60, $0x38;
	[tilespmem:$0xC60] =	vst v63  }
0x9: {  	s7 =	simm.s32 $0x1;
	s11 =	sshrl.u32 s10, $0x1;
	_ =	swait.ge [sflag:s3], $0x60  }
0xa: {  	s6 =	simm.s32 $0x60;
	s10 =	ssub.s32 s10, s11;
	[sflag:s3] =	ssyncset.done $0x0  }
0xb: {  	s5 =	sadd.s32 $0x267E00, s5;
	s31 =	smax.u32 s10, $0x1;
	[sflag:s3] =	ssyncadd.s32 $0xFFFFFFA0  }
0xc: {  	[tilespmem:s6], [sflag:$0x1] =	stream.indirect.gather [hbm4b:s5+s6], $0x20, s2, s6, $0xb8;
	[tilespmem:$0xC60] =	vst v63  }
0xd: {  	s8 =	smul.u32 $0x180, s8;
	p0 =	sne.s32 s31, $0x1;
	_ =	swait.ge [sflag:s7], $0xC00  }
.Ltmp0:
0xe: {  	[sflag:s7] =	ssyncset.done $0x0;
	(pc) =	sbr.rel @!p0 .LBB2_2-.Ltmp0, $4  }
0xf: {  	s8 =	sadd.s32 s9, s8;
	[sflag:s7] =	ssyncadd.s32 $0xFFFFF400  }
0x10: {  	[hbm4b:s8+s2] =	stream.linear.scatter [tilespmem:s6], [sflag:$0x2], $0xC00, $0x38;
	[tilespmem:$0xC60] =	vst v63  }
0x11: {  	_ =	swait.ge [sflag:s3], $0xC00  }
0x12: {  	s9 =	sadd.s32 $0xFFFFFFFF, s31;
	[sflag:s3] =	ssyncset.done $0x0  }
.LBB2_1:
0x13: {  	p0 =	sne.s32 s9, $0x1;
	s9 =	sadd.s32 $0xFFFFFFFF, s9;
	[sflag:s3] =	ssyncadd.s32 $0xFFFFF400  }
0x14: {  	[tilespmem:s2], [sflag:$0x2] =	stream.linear.gather [hbm4b:s4+s2], $0x60, $0x38;
	[tilespmem:$0xC60] =	vst v63  }
0x15: {  	_ =	swait.ge [sflag:s3], $0x60  }
0x16: {  	[sflag:s3] =	ssyncset.done $0x0  }
0x17: {  	[sflag:s3] =	ssyncadd.s32 $0xFFFFFFA0  }
0x18: {  	[tilespmem:s6], [sflag:$0x1] =	stream.indirect.gather [hbm4b:s5+s6], $0x20, s2, s6, $0xb8;
	[tilespmem:$0xC60] =	vst v63  }
0x19: {  	_ =	swait.ge [sflag:s7], $0xC00  }
.Ltmp1:
0x1a: {  	[sflag:s7] =	ssyncset.done $0x0;
	(pc) =	sbr.rel @p0 .LBB2_1-.Ltmp1, $4  }
0x1b: {  	[sflag:s7] =	ssyncadd.s32 $0xFFFFF400  }
0x1c: {  	[hbm4b:s8+s2] =	stream.linear.scatter [tilespmem:s6], [sflag:$0x2], $0xC00, $0x38;
	[tilespmem:$0xC60] =	vst v63  }
0x1d: {  	_ =	swait.ge [sflag:s3], $0xC00  }
0x1e: {  	[sflag:s3] =	ssyncset.done $0x0  }
.LBB2_2:
0x1f: {  	[sflag:s3] =	ssyncadd.s32 $0xFFFFF400  }
0x20: {  	_ =	sfence.sel $0x180000  }
0x21: {  	[bflag:$0x0] =	sbarrier.arrive $0xFFFF  }
0x22: {  	p0 =	sne.s32 s0, $0x0;
	_ =	strace $0x90000047  }
0x23: {  	s0 =	sadd.s32 @!p0 $0x100000, s1;
	[bflag:$0x2] =	sbarrier.arrive $0xFFFF  }
0x24: {  	[sflag:s0] =	ssyncadd.tile.s32 @!p0 $0x1;
	_ =	shalt  }
.Lfunc_end2:
_tile_overlayer_lowered:
.L_overlay_start_2:
0x25: {  	(tag) =	ssettag $0x2  }
0x26: {  	s0 =	rddreg [dreg:$0x0];
	s2 =	stileid.u32  }
0x27: {  	s1 =	rddreg [dreg:$0x1];
	p0 =	sne.s32 s2, $0x0  }
0x28: {  	s3 =	rddreg [dreg:$0x2];
	[bflag:$0x3] =	sbarrier.arrive $0xFFFF;
	s2 =	simm.s32 @!p0 $0x1C02  }
0x29: {  	[timem:s3], [sflag:s2] =	dma.local @!p0 [hbm:s0], s1  }
0x2a: {  	s0 =	simm.s32 @!p0 $0x2  }
0x2b: {  	_ =	swait.ge @!p0 [sflag:s0], s1  }
0x2c: {  	s1 =	ssub.s32 @!p0 $0x0, s1;
	[sflag:s0] =	ssyncset.done @!p0 $0x0  }
0x2d: {  	[sflag:s0] =	ssyncadd.s32 @!p0 s1  }
0x2e: {  	[bflag:$0x3] =	sbarrier.arrive $0xFFFF  }
0x2f: {  	_ =	shalt  }

</sc_bundles>
